<compile_context>
chip_gen: v7x
topology: tpu7x:2x2x1
jax: 0.10.2.dev20260603
libtpu: 0.0.44.dev20260713+nightly
codegen_flags: <defaults>
</compile_context>

<pallas_src>
import functools

import jax
import jax.numpy as jnp
from jax import lax
from jax.experimental import pallas as pl
from jax.experimental.pallas import tpu as pltpu
from jax.experimental.pallas import tpu_sc as plsc

N = 10000
E = 320000
D = 128
DE = 16
O = 128

NC = 2
NS = 16
NW = NC * NS

B = 80
NCHUNKS = E // B
ROWS_PER_TILE = 624
ROWS_REM = N - NS * ROWS_PER_TILE


PBLK = 2000
NPB = N // PBLK


def _pq_body(ea_ref, we_ref, x_ref, wx_ref, b_ref, oq_ref, op_ref):
    oq_ref[...] = jnp.dot(ea_ref[...], we_ref[...],
                          preferred_element_type=jnp.float32)

    @pl.when(pl.program_id(0) < NPB)
    def _p():
        op_ref[...] = (
            jnp.dot(x_ref[...], wx_ref[...], preferred_element_type=jnp.float32)
            + b_ref[...]
        )


def _compute_pq(ea, w1ae, x, w1ax, b1a):
    blk = 3200
    return pl.pallas_call(
        _pq_body,
        grid=(E // blk,),
        in_specs=[
            pl.BlockSpec((blk, DE), lambda i: (i, 0)),
            pl.BlockSpec((DE, O), lambda i: (0, 0)),
            pl.BlockSpec((PBLK, D), lambda i: (jnp.minimum(i, NPB - 1), 0)),
            pl.BlockSpec((D, O), lambda i: (0, 0)),
            pl.BlockSpec((1, O), lambda i: (0, 0)),
        ],
        out_specs=[
            pl.BlockSpec((blk, O), lambda i: (i, 0)),
            pl.BlockSpec((PBLK, O), lambda i: (jnp.minimum(i, NPB - 1), 0)),
        ],
        out_shape=[
            jax.ShapeDtypeStruct((E, O), jnp.float32),
            jax.ShapeDtypeStruct((N, O), jnp.float32),
        ],
    )(ea, w1ae, x, w1ax, b1a.reshape(1, O))


NCH = NCHUNKS // NW


def _sc_body(p_hbm, q_hbm, col_hbm, row_hbm, z128_hbm,
             outs_hbm, outc_hbm,
             colv0, colv1, rowv0, rowv1, gv0, gv1, qv0, qv1, s_sh,
             sin0, sin1, sg0, sg1, ss0, ss1):
    c = lax.axis_index("c")
    s = lax.axis_index("s")
    w = c * NS + s
    base = s * ROWS_PER_TILE
    rbase = NS * ROWS_PER_TILE
    colv = (colv0, colv1)
    rowv = (rowv0, rowv1)
    gv = (gv0, gv1)
    qv = (qv0, qv1)
    sin = (sin0, sin1)
    sg = (sg0, sg1)
    ss = (ss0, ss1)

    def _zero_accum():
        pltpu.sync_copy(z128_hbm.at[pl.ds(0, ROWS_PER_TILE)],
                        s_sh.at[pl.ds(base, ROWS_PER_TILE)])

        @pl.when(s == NS - 1)
        def _init_rem():
            pltpu.sync_copy(z128_hbm.at[pl.ds(0, ROWS_REM)],
                            s_sh.at[pl.ds(rbase, ROWS_REM)])

    def _drain_accum(dst_hbm):
        pltpu.sync_copy(s_sh.at[pl.ds(base, ROWS_PER_TILE)],
                        dst_hbm.at[c, pl.ds(base, ROWS_PER_TILE)])

        @pl.when(s == NS - 1)
        def _drain_rem():
            pltpu.sync_copy(s_sh.at[pl.ds(rbase, ROWS_REM)],
                            dst_hbm.at[c, pl.ds(rbase, ROWS_REM)])

    def _off(k):
        return (w + jnp.minimum(k, NCH - 1) * NW) * B

    def _issue_inputs(k, b):
        off = _off(k)
        pltpu.async_copy(col_hbm.at[pl.ds(off, B)], colv[b], sin[b])
        pltpu.async_copy(row_hbm.at[pl.ds(off, B)], rowv[b], sin[b])
        pltpu.async_copy(q_hbm.at[pl.ds(off, B)], qv[b], sin[b])

    def _drain_inputs(k, b):
        off = _off(k)
        pltpu.make_async_copy(col_hbm.at[pl.ds(off, B)], colv[b], sin[b]).wait()
        pltpu.make_async_copy(row_hbm.at[pl.ds(off, B)], rowv[b], sin[b]).wait()
        pltpu.make_async_copy(q_hbm.at[pl.ds(off, B)], qv[b], sin[b]).wait()

    def _drain_scatter(b):
        pltpu.make_async_copy(gv[b], s_sh.at[rowv[b]], ss[b]).wait()

    def _ew(b):
        @pl.loop(0, B)
        def _row(r):
            for kk in range(O // 16):
                sl = pl.ds(kk * 16, 16)
                gv[b][r, sl] = jnp.maximum(gv[b][r, sl] + qv[b][r, sl], 0.0)

    def _step(k, b, drain_prev_scatter=True):
        nb = 1 - b
        _drain_inputs(k, b)
        gcp = pltpu.async_copy(p_hbm.at[colv[b]], gv[b], sg[b])
        if drain_prev_scatter:
            _drain_scatter(nb)
        _issue_inputs(k + 1, nb)
        gcp.wait()
        _ew(b)
        pltpu.async_copy(gv[b], s_sh.at[rowv[b]], ss[b], add=True)

    _zero_accum()
    plsc.subcore_barrier()

    _issue_inputs(0, 0)
    _step(0, 0, drain_prev_scatter=False)

    @pl.loop(0, (NCH - 1) // 2)
    def _chunk(g):
        _step(1 + 2 * g, 1)
        _step(2 + 2 * g, 0)

    _drain_scatter(0)
    _drain_inputs(NCH, 1)

    plsc.subcore_barrier()
    _drain_accum(outs_hbm)
    plsc.subcore_barrier()

    _zero_accum()
    ones16 = jnp.ones((16,), jnp.float32)

    @pl.loop(0, B)
    def _fill_ones(r):
        for kk in range(O // 16):
            gv0[r, pl.ds(kk * 16, 16)] = ones16

    plsc.subcore_barrier()

    def _issue_row(k, b):
        pltpu.async_copy(row_hbm.at[pl.ds(_off(k), B)], rowv[b], sin[b])

    def _drain_row(k, b):
        pltpu.make_async_copy(row_hbm.at[pl.ds(_off(k), B)], rowv[b],
                              sin[b]).wait()

    def _drain_cnt_scatter(b):
        pltpu.make_async_copy(gv0, s_sh.at[rowv[b]], ss[b]).wait()

    def _cnt_step(k, b, drain_prev_scatter=True):
        nb = 1 - b
        _drain_row(k, b)
        if drain_prev_scatter:
            _drain_cnt_scatter(nb)
        _issue_row(k + 1, nb)
        pltpu.async_copy(gv0, s_sh.at[rowv[b]], ss[b], add=True)

    _issue_row(0, 0)
    _cnt_step(0, 0, drain_prev_scatter=False)

    @pl.loop(0, (NCH - 1) // 2)
    def _chunk_cnt(g):
        _cnt_step(1 + 2 * g, 1)
        _cnt_step(2 + 2 * g, 0)

    _drain_cnt_scatter(0)
    _drain_row(NCH, 1)

    plsc.subcore_barrier()
    _drain_accum(outc_hbm)


_sc_scatter = functools.partial(
    pl.kernel,
    out_type=[
        jax.ShapeDtypeStruct((NC, N, O), jnp.float32),
        jax.ShapeDtypeStruct((NC, N, O), jnp.float32),
    ],
    mesh=plsc.VectorSubcoreMesh(
        core_axis_name="c", subcore_axis_name="s", num_cores=NC, num_subcores=NS
    ),
    scratch_types=[
        pltpu.VMEM((B,), jnp.int32),
        pltpu.VMEM((B,), jnp.int32),
        pltpu.VMEM((B,), jnp.int32),
        pltpu.VMEM((B,), jnp.int32),
        pltpu.VMEM((B, O), jnp.float32),
        pltpu.VMEM((B, O), jnp.float32),
        pltpu.VMEM((B, O), jnp.float32),
        pltpu.VMEM((B, O), jnp.float32),
        pltpu.VMEM_SHARED((N, O), jnp.float32),
        pltpu.SemaphoreType.DMA,
        pltpu.SemaphoreType.DMA,
        pltpu.SemaphoreType.DMA,
        pltpu.SemaphoreType.DMA,
        pltpu.SemaphoreType.DMA,
        pltpu.SemaphoreType.DMA,
    ],
)(_sc_body)


def _node_body(x_ref, sp_ref, cp_ref, w1b_ref, b1b_ref, w2ax_ref,
               w2am_ref, b2a_ref, w2b_ref, b2b_ref, wro_ref, wrx_ref, br_ref,
               o_ref):
    x = x_ref[...]
    ssum = sp_ref[0] + sp_ref[1]
    cnt = cp_ref[0, :, 0:1] + cp_ref[1, :, 0:1]
    m = ssum / jnp.maximum(cnt, 1.0)
    gate = (cnt > 0.0).astype(jnp.float32)
    mean = (
        jnp.dot(m, w1b_ref[...], preferred_element_type=jnp.float32)
        + b1b_ref[...] * gate
    )
    h = jnp.maximum(
        jnp.dot(x, w2ax_ref[...], preferred_element_type=jnp.float32)
        + jnp.dot(mean, w2am_ref[...], preferred_element_type=jnp.float32)
        + b2a_ref[...],
        0.0,
    )
    o2 = jnp.dot(h, w2b_ref[...], preferred_element_type=jnp.float32) + b2b_ref[...]
    o_ref[...] = (
        jnp.dot(o2, wro_ref[...], preferred_element_type=jnp.float32)
        + jnp.dot(x, wrx_ref[...], preferred_element_type=jnp.float32)
        + br_ref[...]
    )


def _node_update(x, s_partials, c_partials, w1b, b1b, w2ax, w2am, b2a, w2b, b2b,
                 wro, wrx, br):
    blk = 2000
    full = lambda shape: pl.BlockSpec(shape, lambda i: tuple(0 for _ in shape))
    return pl.pallas_call(
        _node_body,
        grid=(N // blk,),
        in_specs=[
            pl.BlockSpec((blk, D), lambda i: (i, 0)),
            pl.BlockSpec((NC, blk, O), lambda i: (0, i, 0)),
            pl.BlockSpec((NC, blk, O), lambda i: (0, i, 0)),
            full((O, O)),
            full((1, O)),
            full((D, O)),
            full((O, O)),
            full((1, O)),
            full((O, O)),
            full((1, O)),
            full((O, O)),
            full((D, O)),
            full((1, O)),
        ],
        out_specs=pl.BlockSpec((blk, O), lambda i: (i, 0)),
        out_shape=jax.ShapeDtypeStruct((N, O), jnp.float32),
    )(x, s_partials, c_partials, w1b, b1b.reshape(1, O), w2ax, w2am,
      b2a.reshape(1, O), w2b, b2b.reshape(1, O), wro, wrx, br.reshape(1, O))


def kernel(src_node_features, edge_index, edge_attr, u, batch,
           W1a, b1a, W1b, b1b, W2a, b2a, W2b, b2b, Wr, br):
    x = src_node_features
    row = edge_index[0]
    col = edge_index[1]

    q, p = _compute_pq(edge_attr, W1a[D:], x, W1a[:D], b1a)

    z128 = jnp.zeros((ROWS_PER_TILE, O), dtype=jnp.float32)
    s_partials, c_partials = _sc_scatter(p, q, col, row, z128)

    return _node_update(x, s_partials, c_partials, W1b, b1b,
                        W2a[:D], W2a[D:], b2a, W2b, b2b, Wr[:O], Wr[O:], br)

# --- scband reference (transcript-rebuilt; emitter-appended) ---
"""Pipeline reference for scband-node-sub-model-31533649887477 (READ-ONLY COPY).

The authoritative reference and input builder live on the scoring server;
editing this copy changes nothing except your own understanding.
"""

import jax, jax.numpy as jnp
import numpy as np

N = 10000
E = 320000
D = 128
DE = 16
H = 128
O = 128


def _lin_init(key, fan_in, fan_out):
    kw, kb = jax.random.split(key)
    lim = 1.0 / np.sqrt(fan_in)
    W = jax.random.uniform(kw, (fan_in, fan_out), minval=-lim, maxval=lim, dtype=jnp.float32)
    b = jax.random.uniform(kb, (fan_out,), minval=-lim, maxval=lim, dtype=jnp.float32)
    return W, b


def setup_inputs(seed: int = 0) -> dict:
    key = jax.random.key(seed)
    ks = jax.random.split(key, 10)
    inp = {}
    inp['src_node_features'] = jax.random.normal(ks[0], (N, D), dtype=jnp.float32)
    inp['edge_index'] = jax.random.randint(ks[1], (2, E), 0, N, dtype=jnp.int32)
    inp['edge_attr'] = jax.random.normal(ks[2], (E, DE), dtype=jnp.float32)
    inp['u'] = jnp.zeros((1, 1), dtype=jnp.float32)
    inp['batch'] = jnp.zeros((N,), dtype=jnp.int32)
    inp['W1a'], inp['b1a'] = _lin_init(ks[3], D + DE, H)
    inp['W1b'], inp['b1b'] = _lin_init(ks[4], H, O)
    inp['W2a'], inp['b2a'] = _lin_init(ks[5], D + O, H)
    inp['W2b'], inp['b2b'] = _lin_init(ks[6], H, O)
    inp['Wr'], inp['br'] = _lin_init(ks[7], D + O, O)
    return inp


def reference(src_node_features, edge_index, edge_attr, u, batch,
              W1a, b1a, W1b, b1b, W2a, b2a, W2b, b2b, Wr, br):
    row = edge_index[0]
    col = edge_index[1]
    # message MLP over gathered source features + edge attrs
    out = jnp.concatenate([src_node_features[col], edge_attr], axis=1)
    out = jnp.maximum(out @ W1a + b1a, 0.0)
    out = out @ W1b + b1b
    # scatter_mean onto destination nodes (row)
    s = jax.ops.segment_sum(out, row, num_segments=N)
    cnt = jax.ops.segment_sum(jnp.ones((E, 1), dtype=out.dtype), row, num_segments=N)
    out = s / jnp.maximum(cnt, 1.0)
    # node update MLP
    out = jnp.concatenate([src_node_features, out], axis=1)
    out = jnp.maximum(out @ W2a + b2a, 0.0)
    out = out @ W2b + b2b
    # residual combine
    out = jnp.concatenate([out, src_node_features], axis=1)
    out = out @ Wr + br
    return out

if __name__ == "__main__":
    import jax
    _d = setup_inputs()
    print(jax.jit(kernel)(*tuple(_d.values())))

</pallas_src>

<mosaic_0001>
#map = affine_map<(d0, d1) -> (0, 0)>
#map1 = affine_map<(d0, d1) -> (0)>
#map2 = affine_map<(d0, d1) -> (0, 0, 0)>
module attributes {stable_mosaic.version = 14 : i64} {
  func.func @_sc_body(%arg0: i32, %arg1: i32, %arg2: memref<10000x128xf32, #tpu.memory_space<hbm>>, %arg3: memref<320000x128xf32, #tpu.memory_space<hbm>>, %arg4: memref<320000xi32, #tpu.memory_space<hbm>>, %arg5: memref<320000xi32, #tpu.memory_space<hbm>>, %arg6: memref<624x128xf32, #tpu.memory_space<hbm>>, %arg7: memref<2x10000x128xf32, #tpu.memory_space<hbm>>, %arg8: memref<2x10000x128xf32, #tpu.memory_space<hbm>>, %arg9: memref<80xi32, #tpu.memory_space<vmem>>, %arg10: memref<80xi32, #tpu.memory_space<vmem>>, %arg11: memref<80xi32, #tpu.memory_space<vmem>>, %arg12: memref<80xi32, #tpu.memory_space<vmem>>, %arg13: memref<80x128xf32, #tpu.memory_space<vmem>>, %arg14: memref<80x128xf32, #tpu.memory_space<vmem>>, %arg15: memref<80x128xf32, #tpu.memory_space<vmem>>, %arg16: memref<80x128xf32, #tpu.memory_space<vmem>>, %arg17: memref<10000x128xf32, #tpu.memory_space<vmem_shared>>, %arg18: memref<!tpu.dma_semaphore, #tpu.memory_space<semaphore_mem>>, %arg19: memref<!tpu.dma_semaphore, #tpu.memory_space<semaphore_mem>>, %arg20: memref<!tpu.dma_semaphore, #tpu.memory_space<semaphore_mem>>, %arg21: memref<!tpu.dma_semaphore, #tpu.memory_space<semaphore_mem>>, %arg22: memref<!tpu.dma_semaphore, #tpu.memory_space<semaphore_mem>>, %arg23: memref<!tpu.dma_semaphore, #tpu.memory_space<semaphore_mem>>) attributes {dimension_semantics = [#tpu.dimension_semantics<core_parallel>, #tpu.dimension_semantics<subcore_parallel>], iteration_bounds = array<i64: 2, 16>, scalar_prefetch = 0 : i64, scratch_operands = 15 : i64, tpu.core_type = #tpu.core_type<sc_vector_subcore>, window_params = [{transform_indices = #map}, {transform_indices = #map}, {transform_indices = #map1}, {transform_indices = #map1}, {transform_indices = #map}, {transform_indices = #map2}, {transform_indices = #map2}]} {
    %mul3A = arith.constant 16 : i32
    %mul3A_0 = arith.muli %arg0, %mul3A : i32
    %add3A = arith.addi %mul3A_0, %arg1 : i32
    %mul3A_1 = arith.constant 624 : i32
    %mul3A_2 = arith.muli %arg1, %mul3A_1 : i32
    "tpu.region"() ({
      %run_scoped3A = tpu.sem_alloc : memref<!tpu.dma_semaphore, #tpu.memory_space<semaphore_mem>>
      %dma_start3A_163 = arith.constant 0 : i32
      %dma_start3A_164 = tpu.memref_slice %arg17[%mul3A_2, %dma_start3A_163] : memref<10000x128xf32, #tpu.memory_space<vmem_shared>> -> memref<624x128xf32, #tpu.memory_space<vmem_shared>>
      %dma_start3A_165 = arith.constant 0 : i32
      %dma_start3A_166 = arith.constant 0 : i32
      %dma_start3A_167 = tpu.memref_slice %arg6[%dma_start3A_165, %dma_start3A_166] : memref<624x128xf32, #tpu.memory_space<hbm>> -> memref<624x128xf32, #tpu.memory_space<hbm>>
      tpu.enqueue_dma source(%dma_start3A_167 : memref<624x128xf32, #tpu.memory_space<hbm>>) target(%dma_start3A_164 : memref<624x128xf32, #tpu.memory_space<vmem_shared>>) target_semaphore(%run_scoped3A : memref<!tpu.dma_semaphore, #tpu.memory_space<semaphore_mem>>)
      %dma_wait3A_168 = arith.constant 0 : i32
      %dma_wait3A_169 = tpu.memref_slice %arg17[%mul3A_2, %dma_wait3A_168] : memref<10000x128xf32, #tpu.memory_space<vmem_shared>> -> memref<624x128xf32, #tpu.memory_space<vmem_shared>>
      %dma_wait3A_170 = arith.constant 0 : i32
      %dma_wait3A_171 = arith.constant 0 : i32
      %dma_wait3A_172 = tpu.memref_slice %arg6[%dma_wait3A_170, %dma_wait3A_171] : memref<624x128xf32, #tpu.memory_space<hbm>> -> memref<624x128xf32, #tpu.memory_space<hbm>>
      tpu.wait_dma2 semaphore(%run_scoped3A : memref<!tpu.dma_semaphore, #tpu.memory_space<semaphore_mem>>) src(%dma_wait3A_172 : memref<624x128xf32, #tpu.memory_space<hbm>>) dst(%dma_wait3A_169 : memref<624x128xf32, #tpu.memory_space<vmem_shared>>)
      tpu.yield
    }) : () -> ()
    %eq3A = arith.constant 15 : i32
    %eq3A_3 = arith.cmpi eq, %arg1, %eq3A : i32
    %convert_element_type3A = arith.extui %eq3A_3 : i1 to i32
    %cond3A = arith.constant 0 : i32
    %cond3A_4 = arith.cmpi ne, %convert_element_type3A, %cond3A : i32
    scf.if %cond3A_4 {
      "tpu.region"() ({
        %run_scoped3A = tpu.sem_alloc : memref<!tpu.dma_semaphore, #tpu.memory_space<semaphore_mem>>
        %dma_start3A_163 = arith.constant 9984 : i32
        %dma_start3A_164 = arith.constant 0 : i32
        %dma_start3A_165 = tpu.memref_slice %arg17[%dma_start3A_163, %dma_start3A_164] : memref<10000x128xf32, #tpu.memory_space<vmem_shared>> -> memref<16x128xf32, #tpu.memory_space<vmem_shared>>
        %dma_start3A_166 = arith.constant 0 : i32
        %dma_start3A_167 = arith.constant 0 : i32
        %dma_start3A_168 = tpu.memref_slice %arg6[%dma_start3A_166, %dma_start3A_167] : memref<624x128xf32, #tpu.memory_space<hbm>> -> memref<16x128xf32, #tpu.memory_space<hbm>>
        tpu.enqueue_dma source(%dma_start3A_168 : memref<16x128xf32, #tpu.memory_space<hbm>>) target(%dma_start3A_165 : memref<16x128xf32, #tpu.memory_space<vmem_shared>>) target_semaphore(%run_scoped3A : memref<!tpu.dma_semaphore, #tpu.memory_space<semaphore_mem>>)
        %dma_wait3A_169 = arith.constant 9984 : i32
        %dma_wait3A_170 = arith.constant 0 : i32
        %dma_wait3A_171 = tpu.memref_slice %arg17[%dma_wait3A_169, %dma_wait3A_170] : memref<10000x128xf32, #tpu.memory_space<vmem_shared>> -> memref<16x128xf32, #tpu.memory_space<vmem_shared>>
        %dma_wait3A_172 = arith.constant 0 : i32
        %dma_wait3A_173 = arith.constant 0 : i32
        %dma_wait3A_174 = tpu.memref_slice %arg6[%dma_wait3A_172, %dma_wait3A_173] : memref<624x128xf32, #tpu.memory_space<hbm>> -> memref<16x128xf32, #tpu.memory_space<hbm>>
        tpu.wait_dma2 semaphore(%run_scoped3A : memref<!tpu.dma_semaphore, #tpu.memory_space<semaphore_mem>>) src(%dma_wait3A_174 : memref<16x128xf32, #tpu.memory_space<hbm>>) dst(%dma_wait3A_171 : memref<16x128xf32, #tpu.memory_space<vmem_shared>>)
        tpu.yield
      }) : () -> ()
    } else {
    }
    %barrier3A = arith.constant 0 : index
    tpu.barrier barrier_id(%barrier3A)
    %min3A = arith.constant 0 : i32
    %min3A_5 = arith.constant 124 : i32
    %min3A_6 = arith.minsi %min3A, %min3A_5 : i32
    %mul3A_7 = arith.constant 32 : i32
    %mul3A_8 = arith.muli %min3A_6, %mul3A_7 : i32
    %add3A_9 = arith.addi %add3A, %mul3A_8 : i32
    %mul3A_10 = arith.constant 80 : i32
    %mul3A_11 = arith.muli %add3A_9, %mul3A_10 : i32
    %dma_start3A = tpu.memref_slice %arg4[%mul3A_11] : memref<320000xi32, #tpu.memory_space<hbm>> -> memref<80xi32, #tpu.memory_space<hbm>>
    %dma_start3A_12 = tpu.memref_slice %arg4[%mul3A_11] : memref<320000xi32, #tpu.memory_space<hbm>> -> memref<80xi32, #tpu.memory_space<hbm>>
    tpu.enqueue_dma source(%dma_start3A_12 : memref<80xi32, #tpu.memory_space<hbm>>) target(%arg9 : memref<80xi32, #tpu.memory_space<vmem>>) target_semaphore(%arg18 : memref<!tpu.dma_semaphore, #tpu.memory_space<semaphore_mem>>)
    %dma_start3A_13 = tpu.memref_slice %arg5[%mul3A_11] : memref<320000xi32, #tpu.memory_space<hbm>> -> memref<80xi32, #tpu.memory_space<hbm>>
    %dma_start3A_14 = tpu.memref_slice %arg5[%mul3A_11] : memref<320000xi32, #tpu.memory_space<hbm>> -> memref<80xi32, #tpu.memory_space<hbm>>
    tpu.enqueue_dma source(%dma_start3A_14 : memref<80xi32, #tpu.memory_space<hbm>>) target(%arg11 : memref<80xi32, #tpu.memory_space<vmem>>) target_semaphore(%arg18 : memref<!tpu.dma_semaphore, #tpu.memory_space<semaphore_mem>>)
    %dma_start3A_15 = arith.constant 0 : i32
    %dma_start3A_16 = tpu.memref_slice %arg3[%mul3A_11, %dma_start3A_15] : memref<320000x128xf32, #tpu.memory_space<hbm>> -> memref<80x128xf32, #tpu.memory_space<hbm>>
    %dma_start3A_17 = arith.constant 0 : i32
    %dma_start3A_18 = tpu.memref_slice %arg3[%mul3A_11, %dma_start3A_17] : memref<320000x128xf32, #tpu.memory_space<hbm>> -> memref<80x128xf32, #tpu.memory_space<hbm>>
    tpu.enqueue_dma source(%dma_start3A_18 : memref<80x128xf32, #tpu.memory_space<hbm>>) target(%arg15 : memref<80x128xf32, #tpu.memory_space<vmem>>) target_semaphore(%arg18 : memref<!tpu.dma_semaphore, #tpu.memory_space<semaphore_mem>>)
    %min3A_19 = arith.constant 0 : i32
    %min3A_20 = arith.constant 124 : i32
    %min3A_21 = arith.minsi %min3A_19, %min3A_20 : i32
    %mul3A_22 = arith.constant 32 : i32
    %mul3A_23 = arith.muli %min3A_21, %mul3A_22 : i32
    %add3A_24 = arith.addi %add3A, %mul3A_23 : i32
    %mul3A_25 = arith.constant 80 : i32
    %mul3A_26 = arith.muli %add3A_24, %mul3A_25 : i32
    %dma_wait3A = tpu.memref_slice %arg4[%mul3A_26] : memref<320000xi32, #tpu.memory_space<hbm>> -> memref<80xi32, #tpu.memory_space<hbm>>
    %dma_wait3A_27 = tpu.memref_slice %arg4[%mul3A_26] : memref<320000xi32, #tpu.memory_space<hbm>> -> memref<80xi32, #tpu.memory_space<hbm>>
    tpu.wait_dma2 semaphore(%arg18 : memref<!tpu.dma_semaphore, #tpu.memory_space<semaphore_mem>>) src(%dma_wait3A_27 : memref<80xi32, #tpu.memory_space<hbm>>) dst(%arg9 : memref<80xi32, #tpu.memory_space<vmem>>)
    %dma_wait3A_28 = tpu.memref_slice %arg5[%mul3A_26] : memref<320000xi32, #tpu.memory_space<hbm>> -> memref<80xi32, #tpu.memory_space<hbm>>
    %dma_wait3A_29 = tpu.memref_slice %arg5[%mul3A_26] : memref<320000xi32, #tpu.memory_space<hbm>> -> memref<80xi32, #tpu.memory_space<hbm>>
    tpu.wait_dma2 semaphore(%arg18 : memref<!tpu.dma_semaphore, #tpu.memory_space<semaphore_mem>>) src(%dma_wait3A_29 : memref<80xi32, #tpu.memory_space<hbm>>) dst(%arg11 : memref<80xi32, #tpu.memory_space<vmem>>)
    %dma_wait3A_30 = arith.constant 0 : i32
    %dma_wait3A_31 = tpu.memref_slice %arg3[%mul3A_26, %dma_wait3A_30] : memref<320000x128xf32, #tpu.memory_space<hbm>> -> memref<80x128xf32, #tpu.memory_space<hbm>>
    %dma_wait3A_32 = arith.constant 0 : i32
    %dma_wait3A_33 = tpu.memref_slice %arg3[%mul3A_26, %dma_wait3A_32] : memref<320000x128xf32, #tpu.memory_space<hbm>> -> memref<80x128xf32, #tpu.memory_space<hbm>>
    tpu.wait_dma2 semaphore(%arg18 : memref<!tpu.dma_semaphore, #tpu.memory_space<semaphore_mem>>) src(%dma_wait3A_33 : memref<80x128xf32, #tpu.memory_space<hbm>>) dst(%arg15 : memref<80x128xf32, #tpu.memory_space<vmem>>)
    %dma_start3A_34 = arith.constant 0 : i32
    %dma_start3A_35 = arith.constant 0 : i32
    %dma_start3A_36 = tpu.memref_slice %arg2[%dma_start3A_34, %dma_start3A_35] : memref<10000x128xf32, #tpu.memory_space<hbm>> -> memref<10000x128xf32, #tpu.memory_space<hbm>>
    tpu.enqueue_indirect_dma source(%dma_start3A_36 : memref<10000x128xf32, #tpu.memory_space<hbm>>) target(%arg13 : memref<80x128xf32, #tpu.memory_space<vmem>>) offsets(%arg9 : memref<80xi32, #tpu.memory_space<vmem>>) semaphore(%arg20 : memref<!tpu.dma_semaphore, #tpu.memory_space<semaphore_mem>>)
    %min3A_37 = arith.constant 1 : i32
    %min3A_38 = arith.constant 124 : i32
    %min3A_39 = arith.minsi %min3A_37, %min3A_38 : i32
    %mul3A_40 = arith.constant 32 : i32
    %mul3A_41 = arith.muli %min3A_39, %mul3A_40 : i32
    %add3A_42 = arith.addi %add3A, %mul3A_41 : i32
    %mul3A_43 = arith.constant 80 : i32
    %mul3A_44 = arith.muli %add3A_42, %mul3A_43 : i32
    %dma_start3A_45 = tpu.memref_slice %arg4[%mul3A_44] : memref<320000xi32, #tpu.memory_space<hbm>> -> memref<80xi32, #tpu.memory_space<hbm>>
    %dma_start3A_46 = tpu.memref_slice %arg4[%mul3A_44] : memref<320000xi32, #tpu.memory_space<hbm>> -> memref<80xi32, #tpu.memory_space<hbm>>
    tpu.enqueue_dma source(%dma_start3A_46 : memref<80xi32, #tpu.memory_space<hbm>>) target(%arg10 : memref<80xi32, #tpu.memory_space<vmem>>) target_semaphore(%arg19 : memref<!tpu.dma_semaphore, #tpu.memory_space<semaphore_mem>>)
    %dma_start3A_47 = tpu.memref_slice %arg5[%mul3A_44] : memref<320000xi32, #tpu.memory_space<hbm>> -> memref<80xi32, #tpu.memory_space<hbm>>
    %dma_start3A_48 = tpu.memref_slice %arg5[%mul3A_44] : memref<320000xi32, #tpu.memory_space<hbm>> -> memref<80xi32, #tpu.memory_space<hbm>>
    tpu.enqueue_dma source(%dma_start3A_48 : memref<80xi32, #tpu.memory_space<hbm>>) target(%arg12 : memref<80xi32, #tpu.memory_space<vmem>>) target_semaphore(%arg19 : memref<!tpu.dma_semaphore, #tpu.memory_space<semaphore_mem>>)
    %dma_start3A_49 = arith.constant 0 : i32
    %dma_start3A_50 = tpu.memref_slice %arg3[%mul3A_44, %dma_start3A_49] : memref<320000x128xf32, #tpu.memory_space<hbm>> -> memref<80x128xf32, #tpu.memory_space<hbm>>
    %dma_start3A_51 = arith.constant 0 : i32
    %dma_start3A_52 = tpu.memref_slice %arg3[%mul3A_44, %dma_start3A_51] : memref<320000x128xf32, #tpu.memory_space<hbm>> -> memref<80x128xf32, #tpu.memory_space<hbm>>
    tpu.enqueue_dma source(%dma_start3A_52 : memref<80x128xf32, #tpu.memory_space<hbm>>) target(%arg16 : memref<80x128xf32, #tpu.memory_space<vmem>>) target_semaphore(%arg19 : memref<!tpu.dma_semaphore, #tpu.memory_space<semaphore_mem>>)
    %dma_wait3A_53 = arith.constant 0 : i32
    %dma_wait3A_54 = arith.constant 0 : i32
    %dma_wait3A_55 = tpu.memref_slice %arg2[%dma_wait3A_53, %dma_wait3A_54] : memref<10000x128xf32, #tpu.memory_space<hbm>> -> memref<10000x128xf32, #tpu.memory_space<hbm>>
    tpu.wait_indirect_dma semaphore(%arg20 : memref<!tpu.dma_semaphore, #tpu.memory_space<semaphore_mem>>) src(%dma_wait3A_55 : memref<10000x128xf32, #tpu.memory_space<hbm>>) dst(%arg13 : memref<80x128xf32, #tpu.memory_space<vmem>>)
    %scan3A = arith.constant 0 : i32
    %scan3A_56 = arith.constant 80 : i32
    %scan3A_57 = arith.addi %scan3A, %scan3A_56 : i32
    %scan3A_58 = arith.constant 1 : i32
    scf.for %scan3A_163 = %scan3A to %scan3A_57 step %scan3A_58  : i32 {
      %mul3A_164 = arith.constant 1 : i32
      %mul3A_165 = arith.muli %scan3A_163, %mul3A_164 : i32
      %add3A_166 = arith.constant 0 : i32
      %add3A_167 = arith.addi %add3A_166, %mul3A_165 : i32
      %get3A = arith.index_cast %add3A_167 : i32 to index
      %get3A_168 = arith.constant 0 : index
      %get3A_169 = tpu.vector_load %arg13[%get3A, %get3A_168] {strides = array<i32>} : memref<80x128xf32, #tpu.memory_space<vmem>>, vector<1x16xf32>,
      %get3A_170 = vector.shape_cast %get3A_169 : vector<1x16xf32> to vector<16xf32>
      %get3A_171 = arith.index_cast %add3A_167 : i32 to index
      %get3A_172 = arith.constant 0 : index
      %get3A_173 = tpu.vector_load %arg15[%get3A_171, %get3A_172] {strides = array<i32>} : memref<80x128xf32, #tpu.memory_space<vmem>>, vector<1x16xf32>,
      %get3A_174 = vector.shape_cast %get3A_173 : vector<1x16xf32> to vector<16xf32>
      %add3A_175 = arith.addf %get3A_170, %get3A_174 : vector<16xf32>
      %max3A = arith.constant 0.000000e+00 : f32
      %max3A_176 = vector.broadcast %max3A : f32 to vector<16xf32>
      %max3A_177 = arith.maximumf %add3A_175, %max3A_176 : vector<16xf32>
      %swap3A = arith.index_cast %add3A_167 : i32 to index
      %swap3A_178 = arith.constant 0 : index
      %swap3A_179 = tpu.vector_load %arg13[%swap3A, %swap3A_178] {strides = array<i32>} : memref<80x128xf32, #tpu.memory_space<vmem>>, vector<1x16xf32>,
      %swap3A_180 = vector.shape_cast %swap3A_179 : vector<1x16xf32> to vector<16xf32>
      %swap3A_181 = vector.shape_cast %max3A_177 : vector<16xf32> to vector<1x16xf32>
      tpu.vector_store %arg13[%swap3A, %swap3A_178], %swap3A_181 {strides = array<i32>} : memref<80x128xf32, #tpu.memory_space<vmem>>, vector<1x16xf32>,
      %get3A_182 = arith.index_cast %add3A_167 : i32 to index
      %get3A_183 = arith.constant 16 : index
      %get3A_184 = tpu.vector_load %arg13[%get3A_182, %get3A_183] {strides = array<i32>} : memref<80x128xf32, #tpu.memory_space<vmem>>, vector<1x16xf32>,
      %get3A_185 = vector.shape_cast %get3A_184 : vector<1x16xf32> to vector<16xf32>
      %get3A_186 = arith.index_cast %add3A_167 : i32 to index
      %get3A_187 = arith.constant 16 : index
      %get3A_188 = tpu.vector_load %arg15[%get3A_186, %get3A_187] {strides = array<i32>} : memref<80x128xf32, #tpu.memory_space<vmem>>, vector<1x16xf32>,
      %get3A_189 = vector.shape_cast %get3A_188 : vector<1x16xf32> to vector<16xf32>
      %add3A_190 = arith.addf %get3A_185, %get3A_189 : vector<16xf32>
      %max3A_191 = arith.constant 0.000000e+00 : f32
      %max3A_192 = vector.broadcast %max3A_191 : f32 to vector<16xf32>
      %max3A_193 = arith.maximumf %add3A_190, %max3A_192 : vector<16xf32>
      %swap3A_194 = arith.index_cast %add3A_167 : i32 to index
      %swap3A_195 = arith.constant 16 : index
      %swap3A_196 = tpu.vector_load %arg13[%swap3A_194, %swap3A_195] {strides = array<i32>} : memref<80x128xf32, #tpu.memory_space<vmem>>, vector<1x16xf32>,
      %swap3A_197 = vector.shape_cast %swap3A_196 : vector<1x16xf32> to vector<16xf32>
      %swap3A_198 = vector.shape_cast %max3A_193 : vector<16xf32> to vector<1x16xf32>
      tpu.vector_store %arg13[%swap3A_194, %swap3A_195], %swap3A_198 {strides = array<i32>} : memref<80x128xf32, #tpu.memory_space<vmem>>, vector<1x16xf32>,
      %get3A_199 = arith.index_cast %add3A_167 : i32 to index
      %get3A_200 = arith.constant 32 : index
      %get3A_201 = tpu.vector_load %arg13[%get3A_199, %get3A_200] {strides = array<i32>} : memref<80x128xf32, #tpu.memory_space<vmem>>, vector<1x16xf32>,
      %get3A_202 = vector.shape_cast %get3A_201 : vector<1x16xf32> to vector<16xf32>
      %get3A_203 = arith.index_cast %add3A_167 : i32 to index
      %get3A_204 = arith.constant 32 : index
      %get3A_205 = tpu.vector_load %arg15[%get3A_203, %get3A_204] {strides = array<i32>} : memref<80x128xf32, #tpu.memory_space<vmem>>, vector<1x16xf32>,
      %get3A_206 = vector.shape_cast %get3A_205 : vector<1x16xf32> to vector<16xf32>
      %add3A_207 = arith.addf %get3A_202, %get3A_206 : vector<16xf32>
      %max3A_208 = arith.constant 0.000000e+00 : f32
      %max3A_209 = vector.broadcast %max3A_208 : f32 to vector<16xf32>
      %max3A_210 = arith.maximumf %add3A_207, %max3A_209 : vector<16xf32>
      %swap3A_211 = arith.index_cast %add3A_167 : i32 to index
      %swap3A_212 = arith.constant 32 : index
      %swap3A_213 = tpu.vector_load %arg13[%swap3A_211, %swap3A_212] {strides = array<i32>} : memref<80x128xf32, #tpu.memory_space<vmem>>, vector<1x16xf32>,
      %swap3A_214 = vector.shape_cast %swap3A_213 : vector<1x16xf32> to vector<16xf32>
      %swap3A_215 = vector.shape_cast %max3A_210 : vector<16xf32> to vector<1x16xf32>
      tpu.vector_store %arg13[%swap3A_211, %swap3A_212], %swap3A_215 {strides = array<i32>} : memref<80x128xf32, #tpu.memory_space<vmem>>, vector<1x16xf32>,
      %get3A_216 = arith.index_cast %add3A_167 : i32 to index
      %get3A_217 = arith.constant 48 : index
      %get3A_218 = tpu.vector_load %arg13[%get3A_216, %get3A_217] {strides = array<i32>} : memref<80x128xf32, #tpu.memory_space<vmem>>, vector<1x16xf32>,
      %get3A_219 = vector.shape_cast %get3A_218 : vector<1x16xf32> to vector<16xf32>
      %get3A_220 = arith.index_cast %add3A_167 : i32 to index
      %get3A_221 = arith.constant 48 : index
      %get3A_222 = tpu.vector_load %arg15[%get3A_220, %get3A_221] {strides = array<i32>} : memref<80x128xf32, #tpu.memory_space<vmem>>, vector<1x16xf32>,
      %get3A_223 = vector.shape_cast %get3A_222 : vector<1x16xf32> to vector<16xf32>
      %add3A_224 = arith.addf %get3A_219, %get3A_223 : vector<16xf32>
      %max3A_225 = arith.constant 0.000000e+00 : f32
      %max3A_226 = vector.broadcast %max3A_225 : f32 to vector<16xf32>
      %max3A_227 = arith.maximumf %add3A_224, %max3A_226 : vector<16xf32>
      %swap3A_228 = arith.index_cast %add3A_167 : i32 to index
      %swap3A_229 = arith.constant 48 : index
      %swap3A_230 = tpu.vector_load %arg13[%swap3A_228, %swap3A_229] {strides = array<i32>} : memref<80x128xf32, #tpu.memory_space<vmem>>, vector<1x16xf32>,
      %swap3A_231 = vector.shape_cast %swap3A_230 : vector<1x16xf32> to vector<16xf32>
      %swap3A_232 = vector.shape_cast %max3A_227 : vector<16xf32> to vector<1x16xf32>
      tpu.vector_store %arg13[%swap3A_228, %swap3A_229], %swap3A_232 {strides = array<i32>} : memref<80x128xf32, #tpu.memory_space<vmem>>, vector<1x16xf32>,
      %get3A_233 = arith.index_cast %add3A_167 : i32 to index
      %get3A_234 = arith.constant 64 : index
      %get3A_235 = tpu.vector_load %arg13[%get3A_233, %get3A_234] {strides = array<i32>} : memref<80x128xf32, #tpu.memory_space<vmem>>, vector<1x16xf32>,
      %get3A_236 = vector.shape_cast %get3A_235 : vector<1x16xf32> to vector<16xf32>
      %get3A_237 = arith.index_cast %add3A_167 : i32 to index
      %get3A_238 = arith.constant 64 : index
      %get3A_239 = tpu.vector_load %arg15[%get3A_237, %get3A_238] {strides = array<i32>} : memref<80x128xf32, #tpu.memory_space<vmem>>, vector<1x16xf32>,
      %get3A_240 = vector.shape_cast %get3A_239 : vector<1x16xf32> to vector<16xf32>
      %add3A_241 = arith.addf %get3A_236, %get3A_240 : vector<16xf32>
      %max3A_242 = arith.constant 0.000000e+00 : f32
      %max3A_243 = vector.broadcast %max3A_242 : f32 to vector<16xf32>
      %max3A_244 = arith.maximumf %add3A_241, %max3A_243 : vector<16xf32>
      %swap3A_245 = arith.index_cast %add3A_167 : i32 to index
      %swap3A_246 = arith.constant 64 : index
      %swap3A_247 = tpu.vector_load %arg13[%swap3A_245, %swap3A_246] {strides = array<i32>} : memref<80x128xf32, #tpu.memory_space<vmem>>, vector<1x16xf32>,
      %swap3A_248 = vector.shape_cast %swap3A_247 : vector<1x16xf32> to vector<16xf32>
      %swap3A_249 = vector.shape_cast %max3A_244 : vector<16xf32> to vector<1x16xf32>
      tpu.vector_store %arg13[%swap3A_245, %swap3A_246], %swap3A_249 {strides = array<i32>} : memref<80x128xf32, #tpu.memory_space<vmem>>, vector<1x16xf32>,
      %get3A_250 = arith.index_cast %add3A_167 : i32 to index
      %get3A_251 = arith.constant 80 : index
      %get3A_252 = tpu.vector_load %arg13[%get3A_250, %get3A_251] {strides = array<i32>} : memref<80x128xf32, #tpu.memory_space<vmem>>, vector<1x16xf32>,
      %get3A_253 = vector.shape_cast %get3A_252 : vector<1x16xf32> to vector<16xf32>
      %get3A_254 = arith.index_cast %add3A_167 : i32 to index
      %get3A_255 = arith.constant 80 : index
      %get3A_256 = tpu.vector_load %arg15[%get3A_254, %get3A_255] {strides = array<i32>} : memref<80x128xf32, #tpu.memory_space<vmem>>, vector<1x16xf32>,
      %get3A_257 = vector.shape_cast %get3A_256 : vector<1x16xf32> to vector<16xf32>
      %add3A_258 = arith.addf %get3A_253, %get3A_257 : vector<16xf32>
      %max3A_259 = arith.constant 0.000000e+00 : f32
      %max3A_260 = vector.broadcast %max3A_259 : f32 to vector<16xf32>
      %max3A_261 = arith.maximumf %add3A_258, %max3A_260 : vector<16xf32>
      %swap3A_262 = arith.index_cast %add3A_167 : i32 to index
      %swap3A_263 = arith.constant 80 : index
      %swap3A_264 = tpu.vector_load %arg13[%swap3A_262, %swap3A_263] {strides = array<i32>} : memref<80x128xf32, #tpu.memory_space<vmem>>, vector<1x16xf32>,
      %swap3A_265 = vector.shape_cast %swap3A_264 : vector<1x16xf32> to vector<16xf32>
      %swap3A_266 = vector.shape_cast %max3A_261 : vector<16xf32> to vector<1x16xf32>
      tpu.vector_store %arg13[%swap3A_262, %swap3A_263], %swap3A_266 {strides = array<i32>} : memref<80x128xf32, #tpu.memory_space<vmem>>, vector<1x16xf32>,
      %get3A_267 = arith.index_cast %add3A_167 : i32 to index
      %get3A_268 = arith.constant 96 : index
      %get3A_269 = tpu.vector_load %arg13[%get3A_267, %get3A_268] {strides = array<i32>} : memref<80x128xf32, #tpu.memory_space<vmem>>, vector<1x16xf32>,
      %get3A_270 = vector.shape_cast %get3A_269 : vector<1x16xf32> to vector<16xf32>
      %get3A_271 = arith.index_cast %add3A_167 : i32 to index
      %get3A_272 = arith.constant 96 : index
      %get3A_273 = tpu.vector_load %arg15[%get3A_271, %get3A_272] {strides = array<i32>} : memref<80x128xf32, #tpu.memory_space<vmem>>, vector<1x16xf32>,
      %get3A_274 = vector.shape_cast %get3A_273 : vector<1x16xf32> to vector<16xf32>
      %add3A_275 = arith.addf %get3A_270, %get3A_274 : vector<16xf32>
      %max3A_276 = arith.constant 0.000000e+00 : f32
      %max3A_277 = vector.broadcast %max3A_276 : f32 to vector<16xf32>
      %max3A_278 = arith.maximumf %add3A_275, %max3A_277 : vector<16xf32>
      %swap3A_279 = arith.index_cast %add3A_167 : i32 to index
      %swap3A_280 = arith.constant 96 : index
      %swap3A_281 = tpu.vector_load %arg13[%swap3A_279, %swap3A_280] {strides = array<i32>} : memref<80x128xf32, #tpu.memory_space<vmem>>, vector<1x16xf32>,
      %swap3A_282 = vector.shape_cast %swap3A_281 : vector<1x16xf32> to vector<16xf32>
      %swap3A_283 = vector.shape_cast %max3A_278 : vector<16xf32> to vector<1x16xf32>
      tpu.vector_store %arg13[%swap3A_279, %swap3A_280], %swap3A_283 {strides = array<i32>} : memref<80x128xf32, #tpu.memory_space<vmem>>, vector<1x16xf32>,
      %get3A_284 = arith.index_cast %add3A_167 : i32 to index
      %get3A_285 = arith.constant 112 : index
      %get3A_286 = tpu.vector_load %arg13[%get3A_284, %get3A_285] {strides = array<i32>} : memref<80x128xf32, #tpu.memory_space<vmem>>, vector<1x16xf32>,
      %get3A_287 = vector.shape_cast %get3A_286 : vector<1x16xf32> to vector<16xf32>
      %get3A_288 = arith.index_cast %add3A_167 : i32 to index
      %get3A_289 = arith.constant 112 : index
      %get3A_290 = tpu.vector_load %arg15[%get3A_288, %get3A_289] {strides = array<i32>} : memref<80x128xf32, #tpu.memory_space<vmem>>, vector<1x16xf32>,
      %get3A_291 = vector.shape_cast %get3A_290 : vector<1x16xf32> to vector<16xf32>
      %add3A_292 = arith.addf %get3A_287, %get3A_291 : vector<16xf32>
      %max3A_293 = arith.constant 0.000000e+00 : f32
      %max3A_294 = vector.broadcast %max3A_293 : f32 to vector<16xf32>
      %max3A_295 = arith.maximumf %add3A_292, %max3A_294 : vector<16xf32>
      %swap3A_296 = arith.index_cast %add3A_167 : i32 to index
      %swap3A_297 = arith.constant 112 : index
      %swap3A_298 = tpu.vector_load %arg13[%swap3A_296, %swap3A_297] {strides = array<i32>} : memref<80x128xf32, #tpu.memory_space<vmem>>, vector<1x16xf32>,
      %swap3A_299 = vector.shape_cast %swap3A_298 : vector<1x16xf32> to vector<16xf32>
      %swap3A_300 = vector.shape_cast %max3A_295 : vector<16xf32> to vector<1x16xf32>
      tpu.vector_store %arg13[%swap3A_296, %swap3A_297], %swap3A_300 {strides = array<i32>} : memref<80x128xf32, #tpu.memory_space<vmem>>, vector<1x16xf32>,
    }
    %scan3A_59 = arith.constant 80 : i32
    %dma_start3A_60 = arith.constant 0 : i32
    %dma_start3A_61 = arith.constant 0 : i32
    %dma_start3A_62 = tpu.memref_slice %arg17[%dma_start3A_60, %dma_start3A_61] : memref<10000x128xf32, #tpu.memory_space<vmem_shared>> -> memref<10000x128xf32, #tpu.memory_space<vmem_shared>>
    tpu.enqueue_indirect_dma source(%arg13 : memref<80x128xf32, #tpu.memory_space<vmem>>) target(%dma_start3A_62 : memref<10000x128xf32, #tpu.memory_space<vmem_shared>>) offsets(%arg11 : memref<80xi32, #tpu.memory_space<vmem>>) semaphore(%arg22 : memref<!tpu.dma_semaphore, #tpu.memory_space<semaphore_mem>>) {add = true}
    %scan3A_63 = arith.constant 0 : i32
    %scan3A_64 = arith.constant 62 : i32
    %scan3A_65 = arith.addi %scan3A_63, %scan3A_64 : i32
    %scan3A_66 = arith.constant 1 : i32
    scf.for %scan3A_163 = %scan3A_63 to %scan3A_65 step %scan3A_66  : i32 {
      %mul3A_164 = arith.constant 1 : i32
      %mul3A_165 = arith.muli %scan3A_163, %mul3A_164 : i32
      %add3A_166 = arith.constant 0 : i32
      %add3A_167 = arith.addi %add3A_166, %mul3A_165 : i32
      %mul3A_168 = arith.constant 2 : i32
      %mul3A_169 = arith.muli %mul3A_168, %add3A_167 : i32
      %add3A_170 = arith.constant 1 : i32
      %add3A_171 = arith.addi %add3A_170, %mul3A_169 : i32
      %min3A_172 = arith.constant 124 : i32
      %min3A_173 = arith.minsi %add3A_171, %min3A_172 : i32
      %mul3A_174 = arith.constant 32 : i32
      %mul3A_175 = arith.muli %min3A_173, %mul3A_174 : i32
      %add3A_176 = arith.addi %add3A, %mul3A_175 : i32
      %mul3A_177 = arith.constant 80 : i32
      %mul3A_178 = arith.muli %add3A_176, %mul3A_177 : i32
      %dma_wait3A_179 = tpu.memref_slice %arg4[%mul3A_178] : memref<320000xi32, #tpu.memory_space<hbm>> -> memref<80xi32, #tpu.memory_space<hbm>>
      %dma_wait3A_180 = tpu.memref_slice %arg4[%mul3A_178] : memref<320000xi32, #tpu.memory_space<hbm>> -> memref<80xi32, #tpu.memory_space<hbm>>
      tpu.wait_dma2 semaphore(%arg19 : memref<!tpu.dma_semaphore, #tpu.memory_space<semaphore_mem>>) src(%dma_wait3A_180 : memref<80xi32, #tpu.memory_space<hbm>>) dst(%arg10 : memref<80xi32, #tpu.memory_space<vmem>>)
      %dma_wait3A_181 = tpu.memref_slice %arg5[%mul3A_178] : memref<320000xi32, #tpu.memory_space<hbm>> -> memref<80xi32, #tpu.memory_space<hbm>>
      %dma_wait3A_182 = tpu.memref_slice %arg5[%mul3A_178] : memref<320000xi32, #tpu.memory_space<hbm>> -> memref<80xi32, #tpu.memory_space<hbm>>
      tpu.wait_dma2 semaphore(%arg19 : memref<!tpu.dma_semaphore, #tpu.memory_space<semaphore_mem>>) src(%dma_wait3A_182 : memref<80xi32, #tpu.memory_space<hbm>>) dst(%arg12 : memref<80xi32, #tpu.memory_space<vmem>>)
      %dma_wait3A_183 = arith.constant 0 : i32
      %dma_wait3A_184 = tpu.memref_slice %arg3[%mul3A_178, %dma_wait3A_183] : memref<320000x128xf32, #tpu.memory_space<hbm>> -> memref<80x128xf32, #tpu.memory_space<hbm>>
      %dma_wait3A_185 = arith.constant 0 : i32
      %dma_wait3A_186 = tpu.memref_slice %arg3[%mul3A_178, %dma_wait3A_185] : memref<320000x128xf32, #tpu.memory_space<hbm>> -> memref<80x128xf32, #tpu.memory_space<hbm>>
      tpu.wait_dma2 semaphore(%arg19 : memref<!tpu.dma_semaphore, #tpu.memory_space<semaphore_mem>>) src(%dma_wait3A_186 : memref<80x128xf32, #tpu.memory_space<hbm>>) dst(%arg16 : memref<80x128xf32, #tpu.memory_space<vmem>>)
      %dma_start3A_187 = arith.constant 0 : i32
      %dma_start3A_188 = arith.constant 0 : i32
      %dma_start3A_189 = tpu.memref_slice %arg2[%dma_start3A_187, %dma_start3A_188] : memref<10000x128xf32, #tpu.memory_space<hbm>> -> memref<10000x128xf32, #tpu.memory_space<hbm>>
      tpu.enqueue_indirect_dma source(%dma_start3A_189 : memref<10000x128xf32, #tpu.memory_space<hbm>>) target(%arg14 : memref<80x128xf32, #tpu.memory_space<vmem>>) offsets(%arg10 : memref<80xi32, #tpu.memory_space<vmem>>) semaphore(%arg21 : memref<!tpu.dma_semaphore, #tpu.memory_space<semaphore_mem>>)
      %dma_wait3A_190 = arith.constant 0 : i32
      %dma_wait3A_191 = arith.constant 0 : i32
      %dma_wait3A_192 = tpu.memref_slice %arg17[%dma_wait3A_190, %dma_wait3A_191] : memref<10000x128xf32, #tpu.memory_space<vmem_shared>> -> memref<10000x128xf32, #tpu.memory_space<vmem_shared>>
      tpu.wait_indirect_dma semaphore(%arg22 : memref<!tpu.dma_semaphore, #tpu.memory_space<semaphore_mem>>) src(%arg13 : memref<80x128xf32, #tpu.memory_space<vmem>>) dst(%dma_wait3A_192 : memref<10000x128xf32, #tpu.memory_space<vmem_shared>>)
      %add3A_193 = arith.constant 1 : i32
      %add3A_194 = arith.addi %add3A_171, %add3A_193 : i32
      %min3A_195 = arith.constant 124 : i32
      %min3A_196 = arith.minsi %add3A_194, %min3A_195 : i32
      %mul3A_197 = arith.constant 32 : i32
      %mul3A_198 = arith.muli %min3A_196, %mul3A_197 : i32
      %add3A_199 = arith.addi %add3A, %mul3A_198 : i32
      %mul3A_200 = arith.constant 80 : i32
      %mul3A_201 = arith.muli %add3A_199, %mul3A_200 : i32
      %dma_start3A_202 = tpu.memref_slice %arg4[%mul3A_201] : memref<320000xi32, #tpu.memory_space<hbm>> -> memref<80xi32, #tpu.memory_space<hbm>>
      %dma_start3A_203 = tpu.memref_slice %arg4[%mul3A_201] : memref<320000xi32, #tpu.memory_space<hbm>> -> memref<80xi32, #tpu.memory_space<hbm>>
      tpu.enqueue_dma source(%dma_start3A_203 : memref<80xi32, #tpu.memory_space<hbm>>) target(%arg9 : memref<80xi32, #tpu.memory_space<vmem>>) target_semaphore(%arg18 : memref<!tpu.dma_semaphore, #tpu.memory_space<semaphore_mem>>)
      %dma_start3A_204 = tpu.memref_slice %arg5[%mul3A_201] : memref<320000xi32, #tpu.memory_space<hbm>> -> memref<80xi32, #tpu.memory_space<hbm>>
      %dma_start3A_205 = tpu.memref_slice %arg5[%mul3A_201] : memref<320000xi32, #tpu.memory_space<hbm>> -> memref<80xi32, #tpu.memory_space<hbm>>
      tpu.enqueue_dma source(%dma_start3A_205 : memref<80xi32, #tpu.memory_space<hbm>>) target(%arg11 : memref<80xi32, #tpu.memory_space<vmem>>) target_semaphore(%arg18 : memref<!tpu.dma_semaphore, #tpu.memory_space<semaphore_mem>>)
      %dma_start3A_206 = arith.constant 0 : i32
      %dma_start3A_207 = tpu.memref_slice %arg3[%mul3A_201, %dma_start3A_206] : memref<320000x128xf32, #tpu.memory_space<hbm>> -> memref<80x128xf32, #tpu.memory_space<hbm>>
      %dma_start3A_208 = arith.constant 0 : i32
      %dma_start3A_209 = tpu.memref_slice %arg3[%mul3A_201, %dma_start3A_208] : memref<320000x128xf32, #tpu.memory_space<hbm>> -> memref<80x128xf32, #tpu.memory_space<hbm>>
      tpu.enqueue_dma source(%dma_start3A_209 : memref<80x128xf32, #tpu.memory_space<hbm>>) target(%arg15 : memref<80x128xf32, #tpu.memory_space<vmem>>) target_semaphore(%arg18 : memref<!tpu.dma_semaphore, #tpu.memory_space<semaphore_mem>>)
      %dma_wait3A_210 = arith.constant 0 : i32
      %dma_wait3A_211 = arith.constant 0 : i32
      %dma_wait3A_212 = tpu.memref_slice %arg2[%dma_wait3A_210, %dma_wait3A_211] : memref<10000x128xf32, #tpu.memory_space<hbm>> -> memref<10000x128xf32, #tpu.memory_space<hbm>>
      tpu.wait_indirect_dma semaphore(%arg21 : memref<!tpu.dma_semaphore, #tpu.memory_space<semaphore_mem>>) src(%dma_wait3A_212 : memref<10000x128xf32, #tpu.memory_space<hbm>>) dst(%arg14 : memref<80x128xf32, #tpu.memory_space<vmem>>)
      %scan3A_213 = arith.constant 0 : i32
      %scan3A_214 = arith.constant 80 : i32
      %scan3A_215 = arith.addi %scan3A_213, %scan3A_214 : i32
      %scan3A_216 = arith.constant 1 : i32
      scf.for %scan3A_274 = %scan3A_213 to %scan3A_215 step %scan3A_216  : i32 {
        %mul3A_275 = arith.constant 1 : i32
        %mul3A_276 = arith.muli %scan3A_274, %mul3A_275 : i32
        %add3A_277 = arith.constant 0 : i32
        %add3A_278 = arith.addi %add3A_277, %mul3A_276 : i32
        %get3A = arith.index_cast %add3A_278 : i32 to index
        %get3A_279 = arith.constant 0 : index
        %get3A_280 = tpu.vector_load %arg14[%get3A, %get3A_279] {strides = array<i32>} : memref<80x128xf32, #tpu.memory_space<vmem>>, vector<1x16xf32>,
        %get3A_281 = vector.shape_cast %get3A_280 : vector<1x16xf32> to vector<16xf32>
        %get3A_282 = arith.index_cast %add3A_278 : i32 to index
        %get3A_283 = arith.constant 0 : index
        %get3A_284 = tpu.vector_load %arg16[%get3A_282, %get3A_283] {strides = array<i32>} : memref<80x128xf32, #tpu.memory_space<vmem>>, vector<1x16xf32>,
        %get3A_285 = vector.shape_cast %get3A_284 : vector<1x16xf32> to vector<16xf32>
        %add3A_286 = arith.addf %get3A_281, %get3A_285 : vector<16xf32>
        %max3A = arith.constant 0.000000e+00 : f32
        %max3A_287 = vector.broadcast %max3A : f32 to vector<16xf32>
        %max3A_288 = arith.maximumf %add3A_286, %max3A_287 : vector<16xf32>
        %swap3A = arith.index_cast %add3A_278 : i32 to index
        %swap3A_289 = arith.constant 0 : index
        %swap3A_290 = tpu.vector_load %arg14[%swap3A, %swap3A_289] {strides = array<i32>} : memref<80x128xf32, #tpu.memory_space<vmem>>, vector<1x16xf32>,
        %swap3A_291 = vector.shape_cast %swap3A_290 : vector<1x16xf32> to vector<16xf32>
        %swap3A_292 = vector.shape_cast %max3A_288 : vector<16xf32> to vector<1x16xf32>
        tpu.vector_store %arg14[%swap3A, %swap3A_289], %swap3A_292 {strides = array<i32>} : memref<80x128xf32, #tpu.memory_space<vmem>>, vector<1x16xf32>,
        %get3A_293 = arith.index_cast %add3A_278 : i32 to index
        %get3A_294 = arith.constant 16 : index
        %get3A_295 = tpu.vector_load %arg14[%get3A_293, %get3A_294] {strides = array<i32>} : memref<80x128xf32, #tpu.memory_space<vmem>>, vector<1x16xf32>,
        %get3A_296 = vector.shape_cast %get3A_295 : vector<1x16xf32> to vector<16xf32>
        %get3A_297 = arith.index_cast %add3A_278 : i32 to index
        %get3A_298 = arith.constant 16 : index
        %get3A_299 = tpu.vector_load %arg16[%get3A_297, %get3A_298] {strides = array<i32>} : memref<80x128xf32, #tpu.memory_space<vmem>>, vector<1x16xf32>,
        %get3A_300 = vector.shape_cast %get3A_299 : vector<1x16xf32> to vector<16xf32>
        %add3A_301 = arith.addf %get3A_296, %get3A_300 : vector<16xf32>
        %max3A_302 = arith.constant 0.000000e+00 : f32
        %max3A_303 = vector.broadcast %max3A_302 : f32 to vector<16xf32>
        %max3A_304 = arith.maximumf %add3A_301, %max3A_303 : vector<16xf32>
        %swap3A_305 = arith.index_cast %add3A_278 : i32 to index
        %swap3A_306 = arith.constant 16 : index
        %swap3A_307 = tpu.vector_load %arg14[%swap3A_305, %swap3A_306] {strides = array<i32>} : memref<80x128xf32, #tpu.memory_space<vmem>>, vector<1x16xf32>,
        %swap3A_308 = vector.shape_cast %swap3A_307 : vector<1x16xf32> to vector<16xf32>
        %swap3A_309 = vector.shape_cast %max3A_304 : vector<16xf32> to vector<1x16xf32>
        tpu.vector_store %arg14[%swap3A_305, %swap3A_306], %swap3A_309 {strides = array<i32>} : memref<80x128xf32, #tpu.memory_space<vmem>>, vector<1x16xf32>,
        %get3A_310 = arith.index_cast %add3A_278 : i32 to index
        %get3A_311 = arith.constant 32 : index
        %get3A_312 = tpu.vector_load %arg14[%get3A_310, %get3A_311] {strides = array<i32>} : memref<80x128xf32, #tpu.memory_space<vmem>>, vector<1x16xf32>,
        %get3A_313 = vector.shape_cast %get3A_312 : vector<1x16xf32> to vector<16xf32>
        %get3A_314 = arith.index_cast %add3A_278 : i32 to index
        %get3A_315 = arith.constant 32 : index
        %get3A_316 = tpu.vector_load %arg16[%get3A_314, %get3A_315] {strides = array<i32>} : memref<80x128xf32, #tpu.memory_space<vmem>>, vector<1x16xf32>,
        %get3A_317 = vector.shape_cast %get3A_316 : vector<1x16xf32> to vector<16xf32>
        %add3A_318 = arith.addf %get3A_313, %get3A_317 : vector<16xf32>
        %max3A_319 = arith.constant 0.000000e+00 : f32
        %max3A_320 = vector.broadcast %max3A_319 : f32 to vector<16xf32>
        %max3A_321 = arith.maximumf %add3A_318, %max3A_320 : vector<16xf32>
        %swap3A_322 = arith.index_cast %add3A_278 : i32 to index
        %swap3A_323 = arith.constant 32 : index
        %swap3A_324 = tpu.vector_load %arg14[%swap3A_322, %swap3A_323] {strides = array<i32>} : memref<80x128xf32, #tpu.memory_space<vmem>>, vector<1x16xf32>,
        %swap3A_325 = vector.shape_cast %swap3A_324 : vector<1x16xf32> to vector<16xf32>
        %swap3A_326 = vector.shape_cast %max3A_321 : vector<16xf32> to vector<1x16xf32>
        tpu.vector_store %arg14[%swap3A_322, %swap3A_323], %swap3A_326 {strides = array<i32>} : memref<80x128xf32, #tpu.memory_space<vmem>>, vector<1x16xf32>,
        %get3A_327 = arith.index_cast %add3A_278 : i32 to index
        %get3A_328 = arith.constant 48 : index
        %get3A_329 = tpu.vector_load %arg14[%get3A_327, %get3A_328] {strides = array<i32>} : memref<80x128xf32, #tpu.memory_space<vmem>>, vector<1x16xf32>,
        %get3A_330 = vector.shape_cast %get3A_329 : vector<1x16xf32> to vector<16xf32>
        %get3A_331 = arith.index_cast %add3A_278 : i32 to index
        %get3A_332 = arith.constant 48 : index
        %get3A_333 = tpu.vector_load %arg16[%get3A_331, %get3A_332] {strides = array<i32>} : memref<80x128xf32, #tpu.memory_space<vmem>>, vector<1x16xf32>,
        %get3A_334 = vector.shape_cast %get3A_333 : vector<1x16xf32> to vector<16xf32>
        %add3A_335 = arith.addf %get3A_330, %get3A_334 : vector<16xf32>
        %max3A_336 = arith.constant 0.000000e+00 : f32
        %max3A_337 = vector.broadcast %max3A_336 : f32 to vector<16xf32>
        %max3A_338 = arith.maximumf %add3A_335, %max3A_337 : vector<16xf32>
        %swap3A_339 = arith.index_cast %add3A_278 : i32 to index
        %swap3A_340 = arith.constant 48 : index
        %swap3A_341 = tpu.vector_load %arg14[%swap3A_339, %swap3A_340] {strides = array<i32>} : memref<80x128xf32, #tpu.memory_space<vmem>>, vector<1x16xf32>,
        %swap3A_342 = vector.shape_cast %swap3A_341 : vector<1x16xf32> to vector<16xf32>
        %swap3A_343 = vector.shape_cast %max3A_338 : vector<16xf32> to vector<1x16xf32>
        tpu.vector_store %arg14[%swap3A_339, %swap3A_340], %swap3A_343 {strides = array<i32>} : memref<80x128xf32, #tpu.memory_space<vmem>>, vector<1x16xf32>,
        %get3A_344 = arith.index_cast %add3A_278 : i32 to index
        %get3A_345 = arith.constant 64 : index
        %get3A_346 = tpu.vector_load %arg14[%get3A_344, %get3A_345] {strides = array<i32>} : memref<80x128xf32, #tpu.memory_space<vmem>>, vector<1x16xf32>,
        %get3A_347 = vector.shape_cast %get3A_346 : vector<1x16xf32> to vector<16xf32>
        %get3A_348 = arith.index_cast %add3A_278 : i32 to index
        %get3A_349 = arith.constant 64 : index
        %get3A_350 = tpu.vector_load %arg16[%get3A_348, %get3A_349] {strides = array<i32>} : memref<80x128xf32, #tpu.memory_space<vmem>>, vector<1x16xf32>,
        %get3A_351 = vector.shape_cast %get3A_350 : vector<1x16xf32> to vector<16xf32>
        %add3A_352 = arith.addf %get3A_347, %get3A_351 : vector<16xf32>
        %max3A_353 = arith.constant 0.000000e+00 : f32
        %max3A_354 = vector.broadcast %max3A_353 : f32 to vector<16xf32>
        %max3A_355 = arith.maximumf %add3A_352, %max3A_354 : vector<16xf32>
        %swap3A_356 = arith.index_cast %add3A_278 : i32 to index
        %swap3A_357 = arith.constant 64 : index
        %swap3A_358 = tpu.vector_load %arg14[%swap3A_356, %swap3A_357] {strides = array<i32>} : memref<80x128xf32, #tpu.memory_space<vmem>>, vector<1x16xf32>,
        %swap3A_359 = vector.shape_cast %swap3A_358 : vector<1x16xf32> to vector<16xf32>
        %swap3A_360 = vector.shape_cast %max3A_355 : vector<16xf32> to vector<1x16xf32>
        tpu.vector_store %arg14[%swap3A_356, %swap3A_357], %swap3A_360 {strides = array<i32>} : memref<80x128xf32, #tpu.memory_space<vmem>>, vector<1x16xf32>,
        %get3A_361 = arith.index_cast %add3A_278 : i32 to index
        %get3A_362 = arith.constant 80 : index
        %get3A_363 = tpu.vector_load %arg14[%get3A_361, %get3A_362] {strides = array<i32>} : memref<80x128xf32, #tpu.memory_space<vmem>>, vector<1x16xf32>,
        %get3A_364 = vector.shape_cast %get3A_363 : vector<1x16xf32> to vector<16xf32>
        %get3A_365 = arith.index_cast %add3A_278 : i32 to index
        %get3A_366 = arith.constant 80 : index
        %get3A_367 = tpu.vector_load %arg16[%get3A_365, %get3A_366] {strides = array<i32>} : memref<80x128xf32, #tpu.memory_space<vmem>>, vector<1x16xf32>,
        %get3A_368 = vector.shape_cast %get3A_367 : vector<1x16xf32> to vector<16xf32>
        %add3A_369 = arith.addf %get3A_364, %get3A_368 : vector<16xf32>
        %max3A_370 = arith.constant 0.000000e+00 : f32
        %max3A_371 = vector.broadcast %max3A_370 : f32 to vector<16xf32>
        %max3A_372 = arith.maximumf %add3A_369, %max3A_371 : vector<16xf32>
        %swap3A_373 = arith.index_cast %add3A_278 : i32 to index
        %swap3A_374 = arith.constant 80 : index
        %swap3A_375 = tpu.vector_load %arg14[%swap3A_373, %swap3A_374] {strides = array<i32>} : memref<80x128xf32, #tpu.memory_space<vmem>>, vector<1x16xf32>,
        %swap3A_376 = vector.shape_cast %swap3A_375 : vector<1x16xf32> to vector<16xf32>
        %swap3A_377 = vector.shape_cast %max3A_372 : vector<16xf32> to vector<1x16xf32>
        tpu.vector_store %arg14[%swap3A_373, %swap3A_374], %swap3A_377 {strides = array<i32>} : memref<80x128xf32, #tpu.memory_space<vmem>>, vector<1x16xf32>,
        %get3A_378 = arith.index_cast %add3A_278 : i32 to index
        %get3A_379 = arith.constant 96 : index
        %get3A_380 = tpu.vector_load %arg14[%get3A_378, %get3A_379] {strides = array<i32>} : memref<80x128xf32, #tpu.memory_space<vmem>>, vector<1x16xf32>,
        %get3A_381 = vector.shape_cast %get3A_380 : vector<1x16xf32> to vector<16xf32>
        %get3A_382 = arith.index_cast %add3A_278 : i32 to index
        %get3A_383 = arith.constant 96 : index
        %get3A_384 = tpu.vector_load %arg16[%get3A_382, %get3A_383] {strides = array<i32>} : memref<80x128xf32, #tpu.memory_space<vmem>>, vector<1x16xf32>,
        %get3A_385 = vector.shape_cast %get3A_384 : vector<1x16xf32> to vector<16xf32>
        %add3A_386 = arith.addf %get3A_381, %get3A_385 : vector<16xf32>
        %max3A_387 = arith.constant 0.000000e+00 : f32
        %max3A_388 = vector.broadcast %max3A_387 : f32 to vector<16xf32>
        %max3A_389 = arith.maximumf %add3A_386, %max3A_388 : vector<16xf32>
        %swap3A_390 = arith.index_cast %add3A_278 : i32 to index
        %swap3A_391 = arith.constant 96 : index
        %swap3A_392 = tpu.vector_load %arg14[%swap3A_390, %swap3A_391] {strides = array<i32>} : memref<80x128xf32, #tpu.memory_space<vmem>>, vector<1x16xf32>,
        %swap3A_393 = vector.shape_cast %swap3A_392 : vector<1x16xf32> to vector<16xf32>
        %swap3A_394 = vector.shape_cast %max3A_389 : vector<16xf32> to vector<1x16xf32>
        tpu.vector_store %arg14[%swap3A_390, %swap3A_391], %swap3A_394 {strides = array<i32>} : memref<80x128xf32, #tpu.memory_space<vmem>>, vector<1x16xf32>,
        %get3A_395 = arith.index_cast %add3A_278 : i32 to index
        %get3A_396 = arith.constant 112 : index
        %get3A_397 = tpu.vector_load %arg14[%get3A_395, %get3A_396] {strides = array<i32>} : memref<80x128xf32, #tpu.memory_space<vmem>>, vector<1x16xf32>,
        %get3A_398 = vector.shape_cast %get3A_397 : vector<1x16xf32> to vector<16xf32>
        %get3A_399 = arith.index_cast %add3A_278 : i32 to index
        %get3A_400 = arith.constant 112 : index
        %get3A_401 = tpu.vector_load %arg16[%get3A_399, %get3A_400] {strides = array<i32>} : memref<80x128xf32, #tpu.memory_space<vmem>>, vector<1x16xf32>,
        %get3A_402 = vector.shape_cast %get3A_401 : vector<1x16xf32> to vector<16xf32>
        %add3A_403 = arith.addf %get3A_398, %get3A_402 : vector<16xf32>
        %max3A_404 = arith.constant 0.000000e+00 : f32
        %max3A_405 = vector.broadcast %max3A_404 : f32 to vector<16xf32>
        %max3A_406 = arith.maximumf %add3A_403, %max3A_405 : vector<16xf32>
        %swap3A_407 = arith.index_cast %add3A_278 : i32 to index
        %swap3A_408 = arith.constant 112 : index
        %swap3A_409 = tpu.vector_load %arg14[%swap3A_407, %swap3A_408] {strides = array<i32>} : memref<80x128xf32, #tpu.memory_space<vmem>>, vector<1x16xf32>,
        %swap3A_410 = vector.shape_cast %swap3A_409 : vector<1x16xf32> to vector<16xf32>
        %swap3A_411 = vector.shape_cast %max3A_406 : vector<16xf32> to vector<1x16xf32>
        tpu.vector_store %arg14[%swap3A_407, %swap3A_408], %swap3A_411 {strides = array<i32>} : memref<80x128xf32, #tpu.memory_space<vmem>>, vector<1x16xf32>,
      }
      %scan3A_217 = arith.constant 80 : i32
      %dma_start3A_218 = arith.constant 0 : i32
      %dma_start3A_219 = arith.constant 0 : i32
      %dma_start3A_220 = tpu.memref_slice %arg17[%dma_start3A_218, %dma_start3A_219] : memref<10000x128xf32, #tpu.memory_space<vmem_shared>> -> memref<10000x128xf32, #tpu.memory_space<vmem_shared>>
      tpu.enqueue_indirect_dma source(%arg14 : memref<80x128xf32, #tpu.memory_space<vmem>>) target(%dma_start3A_220 : memref<10000x128xf32, #tpu.memory_space<vmem_shared>>) offsets(%arg12 : memref<80xi32, #tpu.memory_space<vmem>>) semaphore(%arg23 : memref<!tpu.dma_semaphore, #tpu.memory_space<semaphore_mem>>) {add = true}
      %mul3A_221 = arith.constant 2 : i32
      %mul3A_222 = arith.muli %mul3A_221, %add3A_167 : i32
      %add3A_223 = arith.constant 2 : i32
      %add3A_224 = arith.addi %add3A_223, %mul3A_222 : i32
      %min3A_225 = arith.constant 124 : i32
      %min3A_226 = arith.minsi %add3A_224, %min3A_225 : i32
      %mul3A_227 = arith.constant 32 : i32
      %mul3A_228 = arith.muli %min3A_226, %mul3A_227 : i32
      %add3A_229 = arith.addi %add3A, %mul3A_228 : i32
      %mul3A_230 = arith.constant 80 : i32
      %mul3A_231 = arith.muli %add3A_229, %mul3A_230 : i32
      %dma_wait3A_232 = tpu.memref_slice %arg4[%mul3A_231] : memref<320000xi32, #tpu.memory_space<hbm>> -> memref<80xi32, #tpu.memory_space<hbm>>
      %dma_wait3A_233 = tpu.memref_slice %arg4[%mul3A_231] : memref<320000xi32, #tpu.memory_space<hbm>> -> memref<80xi32, #tpu.memory_space<hbm>>
      tpu.wait_dma2 semaphore(%arg18 : memref<!tpu.dma_semaphore, #tpu.memory_space<semaphore_mem>>) src(%dma_wait3A_233 : memref<80xi32, #tpu.memory_space<hbm>>) dst(%arg9 : memref<80xi32, #tpu.memory_space<vmem>>)
      %dma_wait3A_234 = tpu.memref_slice %arg5[%mul3A_231] : memref<320000xi32, #tpu.memory_space<hbm>> -> memref<80xi32, #tpu.memory_space<hbm>>
      %dma_wait3A_235 = tpu.memref_slice %arg5[%mul3A_231] : memref<320000xi32, #tpu.memory_space<hbm>> -> memref<80xi32, #tpu.memory_space<hbm>>
      tpu.wait_dma2 semaphore(%arg18 : memref<!tpu.dma_semaphore, #tpu.memory_space<semaphore_mem>>) src(%dma_wait3A_235 : memref<80xi32, #tpu.memory_space<hbm>>) dst(%arg11 : memref<80xi32, #tpu.memory_space<vmem>>)
      %dma_wait3A_236 = arith.constant 0 : i32
      %dma_wait3A_237 = tpu.memref_slice %arg3[%mul3A_231, %dma_wait3A_236] : memref<320000x128xf32, #tpu.memory_space<hbm>> -> memref<80x128xf32, #tpu.memory_space<hbm>>
      %dma_wait3A_238 = arith.constant 0 : i32
      %dma_wait3A_239 = tpu.memref_slice %arg3[%mul3A_231, %dma_wait3A_238] : memref<320000x128xf32, #tpu.memory_space<hbm>> -> memref<80x128xf32, #tpu.memory_space<hbm>>
      tpu.wait_dma2 semaphore(%arg18 : memref<!tpu.dma_semaphore, #tpu.memory_space<semaphore_mem>>) src(%dma_wait3A_239 : memref<80x128xf32, #tpu.memory_space<hbm>>) dst(%arg15 : memref<80x128xf32, #tpu.memory_space<vmem>>)
      %dma_start3A_240 = arith.constant 0 : i32
      %dma_start3A_241 = arith.constant 0 : i32
      %dma_start3A_242 = tpu.memref_slice %arg2[%dma_start3A_240, %dma_start3A_241] : memref<10000x128xf32, #tpu.memory_space<hbm>> -> memref<10000x128xf32, #tpu.memory_space<hbm>>
      tpu.enqueue_indirect_dma source(%dma_start3A_242 : memref<10000x128xf32, #tpu.memory_space<hbm>>) target(%arg13 : memref<80x128xf32, #tpu.memory_space<vmem>>) offsets(%arg9 : memref<80xi32, #tpu.memory_space<vmem>>) semaphore(%arg20 : memref<!tpu.dma_semaphore, #tpu.memory_space<semaphore_mem>>)
      %dma_wait3A_243 = arith.constant 0 : i32
      %dma_wait3A_244 = arith.constant 0 : i32
      %dma_wait3A_245 = tpu.memref_slice %arg17[%dma_wait3A_243, %dma_wait3A_244] : memref<10000x128xf32, #tpu.memory_space<vmem_shared>> -> memref<10000x128xf32, #tpu.memory_space<vmem_shared>>
      tpu.wait_indirect_dma semaphore(%arg23 : memref<!tpu.dma_semaphore, #tpu.memory_space<semaphore_mem>>) src(%arg14 : memref<80x128xf32, #tpu.memory_space<vmem>>) dst(%dma_wait3A_245 : memref<10000x128xf32, #tpu.memory_space<vmem_shared>>)
      %add3A_246 = arith.constant 1 : i32
      %add3A_247 = arith.addi %add3A_224, %add3A_246 : i32
      %min3A_248 = arith.constant 124 : i32
      %min3A_249 = arith.minsi %add3A_247, %min3A_248 : i32
      %mul3A_250 = arith.constant 32 : i32
      %mul3A_251 = arith.muli %min3A_249, %mul3A_250 : i32
      %add3A_252 = arith.addi %add3A, %mul3A_251 : i32
      %mul3A_253 = arith.constant 80 : i32
      %mul3A_254 = arith.muli %add3A_252, %mul3A_253 : i32
      %dma_start3A_255 = tpu.memref_slice %arg4[%mul3A_254] : memref<320000xi32, #tpu.memory_space<hbm>> -> memref<80xi32, #tpu.memory_space<hbm>>
      %dma_start3A_256 = tpu.memref_slice %arg4[%mul3A_254] : memref<320000xi32, #tpu.memory_space<hbm>> -> memref<80xi32, #tpu.memory_space<hbm>>
      tpu.enqueue_dma source(%dma_start3A_256 : memref<80xi32, #tpu.memory_space<hbm>>) target(%arg10 : memref<80xi32, #tpu.memory_space<vmem>>) target_semaphore(%arg19 : memref<!tpu.dma_semaphore, #tpu.memory_space<semaphore_mem>>)
      %dma_start3A_257 = tpu.memref_slice %arg5[%mul3A_254] : memref<320000xi32, #tpu.memory_space<hbm>> -> memref<80xi32, #tpu.memory_space<hbm>>
      %dma_start3A_258 = tpu.memref_slice %arg5[%mul3A_254] : memref<320000xi32, #tpu.memory_space<hbm>> -> memref<80xi32, #tpu.memory_space<hbm>>
      tpu.enqueue_dma source(%dma_start3A_258 : memref<80xi32, #tpu.memory_space<hbm>>) target(%arg12 : memref<80xi32, #tpu.memory_space<vmem>>) target_semaphore(%arg19 : memref<!tpu.dma_semaphore, #tpu.memory_space<semaphore_mem>>)
      %dma_start3A_259 = arith.constant 0 : i32
      %dma_start3A_260 = tpu.memref_slice %arg3[%mul3A_254, %dma_start3A_259] : memref<320000x128xf32, #tpu.memory_space<hbm>> -> memref<80x128xf32, #tpu.memory_space<hbm>>
      %dma_start3A_261 = arith.constant 0 : i32
      %dma_start3A_262 = tpu.memref_slice %arg3[%mul3A_254, %dma_start3A_261] : memref<320000x128xf32, #tpu.memory_space<hbm>> -> memref<80x128xf32, #tpu.memory_space<hbm>>
      tpu.enqueue_dma source(%dma_start3A_262 : memref<80x128xf32, #tpu.memory_space<hbm>>) target(%arg16 : memref<80x128xf32, #tpu.memory_space<vmem>>) target_semaphore(%arg19 : memref<!tpu.dma_semaphore, #tpu.memory_space<semaphore_mem>>)
      %dma_wait3A_263 = arith.constant 0 : i32
      %dma_wait3A_264 = arith.constant 0 : i32
      %dma_wait3A_265 = tpu.memref_slice %arg2[%dma_wait3A_263, %dma_wait3A_264] : memref<10000x128xf32, #tpu.memory_space<hbm>> -> memref<10000x128xf32, #tpu.memory_space<hbm>>
      tpu.wait_indirect_dma semaphore(%arg20 : memref<!tpu.dma_semaphore, #tpu.memory_space<semaphore_mem>>) src(%dma_wait3A_265 : memref<10000x128xf32, #tpu.memory_space<hbm>>) dst(%arg13 : memref<80x128xf32, #tpu.memory_space<vmem>>)
      %scan3A_266 = arith.constant 0 : i32
      %scan3A_267 = arith.constant 80 : i32
      %scan3A_268 = arith.addi %scan3A_266, %scan3A_267 : i32
      %scan3A_269 = arith.constant 1 : i32
      scf.for %scan3A_274 = %scan3A_266 to %scan3A_268 step %scan3A_269  : i32 {
        %mul3A_275 = arith.constant 1 : i32
        %mul3A_276 = arith.muli %scan3A_274, %mul3A_275 : i32
        %add3A_277 = arith.constant 0 : i32
        %add3A_278 = arith.addi %add3A_277, %mul3A_276 : i32
        %get3A = arith.index_cast %add3A_278 : i32 to index
        %get3A_279 = arith.constant 0 : index
        %get3A_280 = tpu.vector_load %arg13[%get3A, %get3A_279] {strides = array<i32>} : memref<80x128xf32, #tpu.memory_space<vmem>>, vector<1x16xf32>,
        %get3A_281 = vector.shape_cast %get3A_280 : vector<1x16xf32> to vector<16xf32>
        %get3A_282 = arith.index_cast %add3A_278 : i32 to index
        %get3A_283 = arith.constant 0 : index
        %get3A_284 = tpu.vector_load %arg15[%get3A_282, %get3A_283] {strides = array<i32>} : memref<80x128xf32, #tpu.memory_space<vmem>>, vector<1x16xf32>,
        %get3A_285 = vector.shape_cast %get3A_284 : vector<1x16xf32> to vector<16xf32>
        %add3A_286 = arith.addf %get3A_281, %get3A_285 : vector<16xf32>
        %max3A = arith.constant 0.000000e+00 : f32
        %max3A_287 = vector.broadcast %max3A : f32 to vector<16xf32>
        %max3A_288 = arith.maximumf %add3A_286, %max3A_287 : vector<16xf32>
        %swap3A = arith.index_cast %add3A_278 : i32 to index
        %swap3A_289 = arith.constant 0 : index
        %swap3A_290 = tpu.vector_load %arg13[%swap3A, %swap3A_289] {strides = array<i32>} : memref<80x128xf32, #tpu.memory_space<vmem>>, vector<1x16xf32>,
        %swap3A_291 = vector.shape_cast %swap3A_290 : vector<1x16xf32> to vector<16xf32>
        %swap3A_292 = vector.shape_cast %max3A_288 : vector<16xf32> to vector<1x16xf32>
        tpu.vector_store %arg13[%swap3A, %swap3A_289], %swap3A_292 {strides = array<i32>} : memref<80x128xf32, #tpu.memory_space<vmem>>, vector<1x16xf32>,
        %get3A_293 = arith.index_cast %add3A_278 : i32 to index
        %get3A_294 = arith.constant 16 : index
        %get3A_295 = tpu.vector_load %arg13[%get3A_293, %get3A_294] {strides = array<i32>} : memref<80x128xf32, #tpu.memory_space<vmem>>, vector<1x16xf32>,
        %get3A_296 = vector.shape_cast %get3A_295 : vector<1x16xf32> to vector<16xf32>
        %get3A_297 = arith.index_cast %add3A_278 : i32 to index
        %get3A_298 = arith.constant 16 : index
        %get3A_299 = tpu.vector_load %arg15[%get3A_297, %get3A_298] {strides = array<i32>} : memref<80x128xf32, #tpu.memory_space<vmem>>, vector<1x16xf32>,
        %get3A_300 = vector.shape_cast %get3A_299 : vector<1x16xf32> to vector<16xf32>
        %add3A_301 = arith.addf %get3A_296, %get3A_300 : vector<16xf32>
        %max3A_302 = arith.constant 0.000000e+00 : f32
        %max3A_303 = vector.broadcast %max3A_302 : f32 to vector<16xf32>
        %max3A_304 = arith.maximumf %add3A_301, %max3A_303 : vector<16xf32>
        %swap3A_305 = arith.index_cast %add3A_278 : i32 to index
        %swap3A_306 = arith.constant 16 : index
        %swap3A_307 = tpu.vector_load %arg13[%swap3A_305, %swap3A_306] {strides = array<i32>} : memref<80x128xf32, #tpu.memory_space<vmem>>, vector<1x16xf32>,
        %swap3A_308 = vector.shape_cast %swap3A_307 : vector<1x16xf32> to vector<16xf32>
        %swap3A_309 = vector.shape_cast %max3A_304 : vector<16xf32> to vector<1x16xf32>
        tpu.vector_store %arg13[%swap3A_305, %swap3A_306], %swap3A_309 {strides = array<i32>} : memref<80x128xf32, #tpu.memory_space<vmem>>, vector<1x16xf32>,
        %get3A_310 = arith.index_cast %add3A_278 : i32 to index
        %get3A_311 = arith.constant 32 : index
        %get3A_312 = tpu.vector_load %arg13[%get3A_310, %get3A_311] {strides = array<i32>} : memref<80x128xf32, #tpu.memory_space<vmem>>, vector<1x16xf32>,
        %get3A_313 = vector.shape_cast %get3A_312 : vector<1x16xf32> to vector<16xf32>
        %get3A_314 = arith.index_cast %add3A_278 : i32 to index
        %get3A_315 = arith.constant 32 : index
        %get3A_316 = tpu.vector_load %arg15[%get3A_314, %get3A_315] {strides = array<i32>} : memref<80x128xf32, #tpu.memory_space<vmem>>, vector<1x16xf32>,
        %get3A_317 = vector.shape_cast %get3A_316 : vector<1x16xf32> to vector<16xf32>
        %add3A_318 = arith.addf %get3A_313, %get3A_317 : vector<16xf32>
        %max3A_319 = arith.constant 0.000000e+00 : f32
        %max3A_320 = vector.broadcast %max3A_319 : f32 to vector<16xf32>
        %max3A_321 = arith.maximumf %add3A_318, %max3A_320 : vector<16xf32>
        %swap3A_322 = arith.index_cast %add3A_278 : i32 to index
        %swap3A_323 = arith.constant 32 : index
        %swap3A_324 = tpu.vector_load %arg13[%swap3A_322, %swap3A_323] {strides = array<i32>} : memref<80x128xf32, #tpu.memory_space<vmem>>, vector<1x16xf32>,
        %swap3A_325 = vector.shape_cast %swap3A_324 : vector<1x16xf32> to vector<16xf32>
        %swap3A_326 = vector.shape_cast %max3A_321 : vector<16xf32> to vector<1x16xf32>
        tpu.vector_store %arg13[%swap3A_322, %swap3A_323], %swap3A_326 {strides = array<i32>} : memref<80x128xf32, #tpu.memory_space<vmem>>, vector<1x16xf32>,
        %get3A_327 = arith.index_cast %add3A_278 : i32 to index
        %get3A_328 = arith.constant 48 : index
        %get3A_329 = tpu.vector_load %arg13[%get3A_327, %get3A_328] {strides = array<i32>} : memref<80x128xf32, #tpu.memory_space<vmem>>, vector<1x16xf32>,
        %get3A_330 = vector.shape_cast %get3A_329 : vector<1x16xf32> to vector<16xf32>
        %get3A_331 = arith.index_cast %add3A_278 : i32 to index
        %get3A_332 = arith.constant 48 : index
        %get3A_333 = tpu.vector_load %arg15[%get3A_331, %get3A_332] {strides = array<i32>} : memref<80x128xf32, #tpu.memory_space<vmem>>, vector<1x16xf32>,
        %get3A_334 = vector.shape_cast %get3A_333 : vector<1x16xf32> to vector<16xf32>
        %add3A_335 = arith.addf %get3A_330, %get3A_334 : vector<16xf32>
        %max3A_336 = arith.constant 0.000000e+00 : f32
        %max3A_337 = vector.broadcast %max3A_336 : f32 to vector<16xf32>
        %max3A_338 = arith.maximumf %add3A_335, %max3A_337 : vector<16xf32>
        %swap3A_339 = arith.index_cast %add3A_278 : i32 to index
        %swap3A_340 = arith.constant 48 : index
        %swap3A_341 = tpu.vector_load %arg13[%swap3A_339, %swap3A_340] {strides = array<i32>} : memref<80x128xf32, #tpu.memory_space<vmem>>, vector<1x16xf32>,
        %swap3A_342 = vector.shape_cast %swap3A_341 : vector<1x16xf32> to vector<16xf32>
        %swap3A_343 = vector.shape_cast %max3A_338 : vector<16xf32> to vector<1x16xf32>
        tpu.vector_store %arg13[%swap3A_339, %swap3A_340], %swap3A_343 {strides = array<i32>} : memref<80x128xf32, #tpu.memory_space<vmem>>, vector<1x16xf32>,
        %get3A_344 = arith.index_cast %add3A_278 : i32 to index
        %get3A_345 = arith.constant 64 : index
        %get3A_346 = tpu.vector_load %arg13[%get3A_344, %get3A_345] {strides = array<i32>} : memref<80x128xf32, #tpu.memory_space<vmem>>, vector<1x16xf32>,
        %get3A_347 = vector.shape_cast %get3A_346 : vector<1x16xf32> to vector<16xf32>
        %get3A_348 = arith.index_cast %add3A_278 : i32 to index
        %get3A_349 = arith.constant 64 : index
        %get3A_350 = tpu.vector_load %arg15[%get3A_348, %get3A_349] {strides = array<i32>} : memref<80x128xf32, #tpu.memory_space<vmem>>, vector<1x16xf32>,
        %get3A_351 = vector.shape_cast %get3A_350 : vector<1x16xf32> to vector<16xf32>
        %add3A_352 = arith.addf %get3A_347, %get3A_351 : vector<16xf32>
        %max3A_353 = arith.constant 0.000000e+00 : f32
        %max3A_354 = vector.broadcast %max3A_353 : f32 to vector<16xf32>
        %max3A_355 = arith.maximumf %add3A_352, %max3A_354 : vector<16xf32>
        %swap3A_356 = arith.index_cast %add3A_278 : i32 to index
        %swap3A_357 = arith.constant 64 : index
        %swap3A_358 = tpu.vector_load %arg13[%swap3A_356, %swap3A_357] {strides = array<i32>} : memref<80x128xf32, #tpu.memory_space<vmem>>, vector<1x16xf32>,
        %swap3A_359 = vector.shape_cast %swap3A_358 : vector<1x16xf32> to vector<16xf32>
        %swap3A_360 = vector.shape_cast %max3A_355 : vector<16xf32> to vector<1x16xf32>
        tpu.vector_store %arg13[%swap3A_356, %swap3A_357], %swap3A_360 {strides = array<i32>} : memref<80x128xf32, #tpu.memory_space<vmem>>, vector<1x16xf32>,
        %get3A_361 = arith.index_cast %add3A_278 : i32 to index
        %get3A_362 = arith.constant 80 : index
        %get3A_363 = tpu.vector_load %arg13[%get3A_361, %get3A_362] {strides = array<i32>} : memref<80x128xf32, #tpu.memory_space<vmem>>, vector<1x16xf32>,
        %get3A_364 = vector.shape_cast %get3A_363 : vector<1x16xf32> to vector<16xf32>
        %get3A_365 = arith.index_cast %add3A_278 : i32 to index
        %get3A_366 = arith.constant 80 : index
        %get3A_367 = tpu.vector_load %arg15[%get3A_365, %get3A_366] {strides = array<i32>} : memref<80x128xf32, #tpu.memory_space<vmem>>, vector<1x16xf32>,
        %get3A_368 = vector.shape_cast %get3A_367 : vector<1x16xf32> to vector<16xf32>
        %add3A_369 = arith.addf %get3A_364, %get3A_368 : vector<16xf32>
        %max3A_370 = arith.constant 0.000000e+00 : f32
        %max3A_371 = vector.broadcast %max3A_370 : f32 to vector<16xf32>
        %max3A_372 = arith.maximumf %add3A_369, %max3A_371 : vector<16xf32>
        %swap3A_373 = arith.index_cast %add3A_278 : i32 to index
        %swap3A_374 = arith.constant 80 : index
        %swap3A_375 = tpu.vector_load %arg13[%swap3A_373, %swap3A_374] {strides = array<i32>} : memref<80x128xf32, #tpu.memory_space<vmem>>, vector<1x16xf32>,
        %swap3A_376 = vector.shape_cast %swap3A_375 : vector<1x16xf32> to vector<16xf32>
        %swap3A_377 = vector.shape_cast %max3A_372 : vector<16xf32> to vector<1x16xf32>
        tpu.vector_store %arg13[%swap3A_373, %swap3A_374], %swap3A_377 {strides = array<i32>} : memref<80x128xf32, #tpu.memory_space<vmem>>, vector<1x16xf32>,
        %get3A_378 = arith.index_cast %add3A_278 : i32 to index
        %get3A_379 = arith.constant 96 : index
        %get3A_380 = tpu.vector_load %arg13[%get3A_378, %get3A_379] {strides = array<i32>} : memref<80x128xf32, #tpu.memory_space<vmem>>, vector<1x16xf32>,
        %get3A_381 = vector.shape_cast %get3A_380 : vector<1x16xf32> to vector<16xf32>
        %get3A_382 = arith.index_cast %add3A_278 : i32 to index
        %get3A_383 = arith.constant 96 : index
        %get3A_384 = tpu.vector_load %arg15[%get3A_382, %get3A_383] {strides = array<i32>} : memref<80x128xf32, #tpu.memory_space<vmem>>, vector<1x16xf32>,
        %get3A_385 = vector.shape_cast %get3A_384 : vector<1x16xf32> to vector<16xf32>
        %add3A_386 = arith.addf %get3A_381, %get3A_385 : vector<16xf32>
        %max3A_387 = arith.constant 0.000000e+00 : f32
        %max3A_388 = vector.broadcast %max3A_387 : f32 to vector<16xf32>
        %max3A_389 = arith.maximumf %add3A_386, %max3A_388 : vector<16xf32>
        %swap3A_390 = arith.index_cast %add3A_278 : i32 to index
        %swap3A_391 = arith.constant 96 : index
        %swap3A_392 = tpu.vector_load %arg13[%swap3A_390, %swap3A_391] {strides = array<i32>} : memref<80x128xf32, #tpu.memory_space<vmem>>, vector<1x16xf32>,
        %swap3A_393 = vector.shape_cast %swap3A_392 : vector<1x16xf32> to vector<16xf32>
        %swap3A_394 = vector.shape_cast %max3A_389 : vector<16xf32> to vector<1x16xf32>
        tpu.vector_store %arg13[%swap3A_390, %swap3A_391], %swap3A_394 {strides = array<i32>} : memref<80x128xf32, #tpu.memory_space<vmem>>, vector<1x16xf32>,
        %get3A_395 = arith.index_cast %add3A_278 : i32 to index
        %get3A_396 = arith.constant 112 : index
        %get3A_397 = tpu.vector_load %arg13[%get3A_395, %get3A_396] {strides = array<i32>} : memref<80x128xf32, #tpu.memory_space<vmem>>, vector<1x16xf32>,
        %get3A_398 = vector.shape_cast %get3A_397 : vector<1x16xf32> to vector<16xf32>
        %get3A_399 = arith.index_cast %add3A_278 : i32 to index
        %get3A_400 = arith.constant 112 : index
        %get3A_401 = tpu.vector_load %arg15[%get3A_399, %get3A_400] {strides = array<i32>} : memref<80x128xf32, #tpu.memory_space<vmem>>, vector<1x16xf32>,
        %get3A_402 = vector.shape_cast %get3A_401 : vector<1x16xf32> to vector<16xf32>
        %add3A_403 = arith.addf %get3A_398, %get3A_402 : vector<16xf32>
        %max3A_404 = arith.constant 0.000000e+00 : f32
        %max3A_405 = vector.broadcast %max3A_404 : f32 to vector<16xf32>
        %max3A_406 = arith.maximumf %add3A_403, %max3A_405 : vector<16xf32>
        %swap3A_407 = arith.index_cast %add3A_278 : i32 to index
        %swap3A_408 = arith.constant 112 : index
        %swap3A_409 = tpu.vector_load %arg13[%swap3A_407, %swap3A_408] {strides = array<i32>} : memref<80x128xf32, #tpu.memory_space<vmem>>, vector<1x16xf32>,
        %swap3A_410 = vector.shape_cast %swap3A_409 : vector<1x16xf32> to vector<16xf32>
        %swap3A_411 = vector.shape_cast %max3A_406 : vector<16xf32> to vector<1x16xf32>
        tpu.vector_store %arg13[%swap3A_407, %swap3A_408], %swap3A_411 {strides = array<i32>} : memref<80x128xf32, #tpu.memory_space<vmem>>, vector<1x16xf32>,
      }
      %scan3A_270 = arith.constant 80 : i32
      %dma_start3A_271 = arith.constant 0 : i32
      %dma_start3A_272 = arith.constant 0 : i32
      %dma_start3A_273 = tpu.memref_slice %arg17[%dma_start3A_271, %dma_start3A_272] : memref<10000x128xf32, #tpu.memory_space<vmem_shared>> -> memref<10000x128xf32, #tpu.memory_space<vmem_shared>>
      tpu.enqueue_indirect_dma source(%arg13 : memref<80x128xf32, #tpu.memory_space<vmem>>) target(%dma_start3A_273 : memref<10000x128xf32, #tpu.memory_space<vmem_shared>>) offsets(%arg11 : memref<80xi32, #tpu.memory_space<vmem>>) semaphore(%arg22 : memref<!tpu.dma_semaphore, #tpu.memory_space<semaphore_mem>>) {add = true}
    }
    %scan3A_67 = arith.constant 62 : i32
    %dma_wait3A_68 = arith.constant 0 : i32
    %dma_wait3A_69 = arith.constant 0 : i32
    %dma_wait3A_70 = tpu.memref_slice %arg17[%dma_wait3A_68, %dma_wait3A_69] : memref<10000x128xf32, #tpu.memory_space<vmem_shared>> -> memref<10000x128xf32, #tpu.memory_space<vmem_shared>>
    tpu.wait_indirect_dma semaphore(%arg22 : memref<!tpu.dma_semaphore, #tpu.memory_space<semaphore_mem>>) src(%arg13 : memref<80x128xf32, #tpu.memory_space<vmem>>) dst(%dma_wait3A_70 : memref<10000x128xf32, #tpu.memory_space<vmem_shared>>)
    %min3A_71 = arith.constant 125 : i32
    %min3A_72 = arith.constant 124 : i32
    %min3A_73 = arith.minsi %min3A_71, %min3A_72 : i32
    %mul3A_74 = arith.constant 32 : i32
    %mul3A_75 = arith.muli %min3A_73, %mul3A_74 : i32
    %add3A_76 = arith.addi %add3A, %mul3A_75 : i32
    %mul3A_77 = arith.constant 80 : i32
    %mul3A_78 = arith.muli %add3A_76, %mul3A_77 : i32
    %dma_wait3A_79 = tpu.memref_slice %arg4[%mul3A_78] : memref<320000xi32, #tpu.memory_space<hbm>> -> memref<80xi32, #tpu.memory_space<hbm>>
    %dma_wait3A_80 = tpu.memref_slice %arg4[%mul3A_78] : memref<320000xi32, #tpu.memory_space<hbm>> -> memref<80xi32, #tpu.memory_space<hbm>>
    tpu.wait_dma2 semaphore(%arg19 : memref<!tpu.dma_semaphore, #tpu.memory_space<semaphore_mem>>) src(%dma_wait3A_80 : memref<80xi32, #tpu.memory_space<hbm>>) dst(%arg10 : memref<80xi32, #tpu.memory_space<vmem>>)
    %dma_wait3A_81 = tpu.memref_slice %arg5[%mul3A_78] : memref<320000xi32, #tpu.memory_space<hbm>> -> memref<80xi32, #tpu.memory_space<hbm>>
    %dma_wait3A_82 = tpu.memref_slice %arg5[%mul3A_78] : memref<320000xi32, #tpu.memory_space<hbm>> -> memref<80xi32, #tpu.memory_space<hbm>>
    tpu.wait_dma2 semaphore(%arg19 : memref<!tpu.dma_semaphore, #tpu.memory_space<semaphore_mem>>) src(%dma_wait3A_82 : memref<80xi32, #tpu.memory_space<hbm>>) dst(%arg12 : memref<80xi32, #tpu.memory_space<vmem>>)
    %dma_wait3A_83 = arith.constant 0 : i32
    %dma_wait3A_84 = tpu.memref_slice %arg3[%mul3A_78, %dma_wait3A_83] : memref<320000x128xf32, #tpu.memory_space<hbm>> -> memref<80x128xf32, #tpu.memory_space<hbm>>
    %dma_wait3A_85 = arith.constant 0 : i32
    %dma_wait3A_86 = tpu.memref_slice %arg3[%mul3A_78, %dma_wait3A_85] : memref<320000x128xf32, #tpu.memory_space<hbm>> -> memref<80x128xf32, #tpu.memory_space<hbm>>
    tpu.wait_dma2 semaphore(%arg19 : memref<!tpu.dma_semaphore, #tpu.memory_space<semaphore_mem>>) src(%dma_wait3A_86 : memref<80x128xf32, #tpu.memory_space<hbm>>) dst(%arg16 : memref<80x128xf32, #tpu.memory_space<vmem>>)
    %barrier3A_87 = arith.constant 0 : index
    tpu.barrier barrier_id(%barrier3A_87)
    "tpu.region"() ({
      %run_scoped3A = tpu.sem_alloc : memref<!tpu.dma_semaphore, #tpu.memory_space<semaphore_mem>>
      %dma_start3A_163 = arith.constant 0 : i32
      %dma_start3A_164 = tpu.memref_slice %arg7[%arg0, %mul3A_2, %dma_start3A_163] : memref<2x10000x128xf32, #tpu.memory_space<hbm>> -> memref<1x624x128xf32, #tpu.memory_space<hbm>>
      %dma_start3A_165 = tpu.memref_squeeze %dma_start3A_164 : memref<1x624x128xf32, #tpu.memory_space<hbm>> -> memref<624x128xf32, #tpu.memory_space<hbm>>
      %dma_start3A_166 = arith.constant 0 : i32
      %dma_start3A_167 = tpu.memref_slice %arg17[%mul3A_2, %dma_start3A_166] : memref<10000x128xf32, #tpu.memory_space<vmem_shared>> -> memref<624x128xf32, #tpu.memory_space<vmem_shared>>
      tpu.enqueue_dma source(%dma_start3A_167 : memref<624x128xf32, #tpu.memory_space<vmem_shared>>) target(%dma_start3A_165 : memref<624x128xf32, #tpu.memory_space<hbm>>) target_semaphore(%run_scoped3A : memref<!tpu.dma_semaphore, #tpu.memory_space<semaphore_mem>>)
      %dma_wait3A_168 = arith.constant 0 : i32
      %dma_wait3A_169 = tpu.memref_slice %arg7[%arg0, %mul3A_2, %dma_wait3A_168] : memref<2x10000x128xf32, #tpu.memory_space<hbm>> -> memref<1x624x128xf32, #tpu.memory_space<hbm>>
      %dma_wait3A_170 = tpu.memref_squeeze %dma_wait3A_169 : memref<1x624x128xf32, #tpu.memory_space<hbm>> -> memref<624x128xf32, #tpu.memory_space<hbm>>
      %dma_wait3A_171 = arith.constant 0 : i32
      %dma_wait3A_172 = tpu.memref_slice %arg17[%mul3A_2, %dma_wait3A_171] : memref<10000x128xf32, #tpu.memory_space<vmem_shared>> -> memref<624x128xf32, #tpu.memory_space<vmem_shared>>
      tpu.wait_dma2 semaphore(%run_scoped3A : memref<!tpu.dma_semaphore, #tpu.memory_space<semaphore_mem>>) src(%dma_wait3A_172 : memref<624x128xf32, #tpu.memory_space<vmem_shared>>) dst(%dma_wait3A_170 : memref<624x128xf32, #tpu.memory_space<hbm>>)
      tpu.yield
    }) : () -> ()
    %eq3A_88 = arith.constant 15 : i32
    %eq3A_89 = arith.cmpi eq, %arg1, %eq3A_88 : i32
    %convert_element_type3A_90 = arith.extui %eq3A_89 : i1 to i32
    %cond3A_91 = arith.constant 0 : i32
    %cond3A_92 = arith.cmpi ne, %convert_element_type3A_90, %cond3A_91 : i32
    scf.if %cond3A_92 {
      "tpu.region"() ({
        %run_scoped3A = tpu.sem_alloc : memref<!tpu.dma_semaphore, #tpu.memory_space<semaphore_mem>>
        %dma_start3A_163 = arith.constant 9984 : i32
        %dma_start3A_164 = arith.constant 0 : i32
        %dma_start3A_165 = tpu.memref_slice %arg7[%arg0, %dma_start3A_163, %dma_start3A_164] : memref<2x10000x128xf32, #tpu.memory_space<hbm>> -> memref<1x16x128xf32, #tpu.memory_space<hbm>>
        %dma_start3A_166 = tpu.memref_squeeze %dma_start3A_165 : memref<1x16x128xf32, #tpu.memory_space<hbm>> -> memref<16x128xf32, #tpu.memory_space<hbm>>
        %dma_start3A_167 = arith.constant 9984 : i32
        %dma_start3A_168 = arith.constant 0 : i32
        %dma_start3A_169 = tpu.memref_slice %arg17[%dma_start3A_167, %dma_start3A_168] : memref<10000x128xf32, #tpu.memory_space<vmem_shared>> -> memref<16x128xf32, #tpu.memory_space<vmem_shared>>
        tpu.enqueue_dma source(%dma_start3A_169 : memref<16x128xf32, #tpu.memory_space<vmem_shared>>) target(%dma_start3A_166 : memref<16x128xf32, #tpu.memory_space<hbm>>) target_semaphore(%run_scoped3A : memref<!tpu.dma_semaphore, #tpu.memory_space<semaphore_mem>>)
        %dma_wait3A_170 = arith.constant 9984 : i32
        %dma_wait3A_171 = arith.constant 0 : i32
        %dma_wait3A_172 = tpu.memref_slice %arg7[%arg0, %dma_wait3A_170, %dma_wait3A_171] : memref<2x10000x128xf32, #tpu.memory_space<hbm>> -> memref<1x16x128xf32, #tpu.memory_space<hbm>>
        %dma_wait3A_173 = tpu.memref_squeeze %dma_wait3A_172 : memref<1x16x128xf32, #tpu.memory_space<hbm>> -> memref<16x128xf32, #tpu.memory_space<hbm>>
        %dma_wait3A_174 = arith.constant 9984 : i32
        %dma_wait3A_175 = arith.constant 0 : i32
        %dma_wait3A_176 = tpu.memref_slice %arg17[%dma_wait3A_174, %dma_wait3A_175] : memref<10000x128xf32, #tpu.memory_space<vmem_shared>> -> memref<16x128xf32, #tpu.memory_space<vmem_shared>>
        tpu.wait_dma2 semaphore(%run_scoped3A : memref<!tpu.dma_semaphore, #tpu.memory_space<semaphore_mem>>) src(%dma_wait3A_176 : memref<16x128xf32, #tpu.memory_space<vmem_shared>>) dst(%dma_wait3A_173 : memref<16x128xf32, #tpu.memory_space<hbm>>)
        tpu.yield
      }) : () -> ()
    } else {
    }
    %barrier3A_93 = arith.constant 0 : index
    tpu.barrier barrier_id(%barrier3A_93)
    "tpu.region"() ({
      %run_scoped3A = tpu.sem_alloc : memref<!tpu.dma_semaphore, #tpu.memory_space<semaphore_mem>>
      %dma_start3A_163 = arith.constant 0 : i32
      %dma_start3A_164 = tpu.memref_slice %arg17[%mul3A_2, %dma_start3A_163] : memref<10000x128xf32, #tpu.memory_space<vmem_shared>> -> memref<624x128xf32, #tpu.memory_space<vmem_shared>>
      %dma_start3A_165 = arith.constant 0 : i32
      %dma_start3A_166 = arith.constant 0 : i32
      %dma_start3A_167 = tpu.memref_slice %arg6[%dma_start3A_165, %dma_start3A_166] : memref<624x128xf32, #tpu.memory_space<hbm>> -> memref<624x128xf32, #tpu.memory_space<hbm>>
      tpu.enqueue_dma source(%dma_start3A_167 : memref<624x128xf32, #tpu.memory_space<hbm>>) target(%dma_start3A_164 : memref<624x128xf32, #tpu.memory_space<vmem_shared>>) target_semaphore(%run_scoped3A : memref<!tpu.dma_semaphore, #tpu.memory_space<semaphore_mem>>)
      %dma_wait3A_168 = arith.constant 0 : i32
      %dma_wait3A_169 = tpu.memref_slice %arg17[%mul3A_2, %dma_wait3A_168] : memref<10000x128xf32, #tpu.memory_space<vmem_shared>> -> memref<624x128xf32, #tpu.memory_space<vmem_shared>>
      %dma_wait3A_170 = arith.constant 0 : i32
      %dma_wait3A_171 = arith.constant 0 : i32
      %dma_wait3A_172 = tpu.memref_slice %arg6[%dma_wait3A_170, %dma_wait3A_171] : memref<624x128xf32, #tpu.memory_space<hbm>> -> memref<624x128xf32, #tpu.memory_space<hbm>>
      tpu.wait_dma2 semaphore(%run_scoped3A : memref<!tpu.dma_semaphore, #tpu.memory_space<semaphore_mem>>) src(%dma_wait3A_172 : memref<624x128xf32, #tpu.memory_space<hbm>>) dst(%dma_wait3A_169 : memref<624x128xf32, #tpu.memory_space<vmem_shared>>)
      tpu.yield
    }) : () -> ()
    %eq3A_94 = arith.constant 15 : i32
    %eq3A_95 = arith.cmpi eq, %arg1, %eq3A_94 : i32
    %convert_element_type3A_96 = arith.extui %eq3A_95 : i1 to i32
    %cond3A_97 = arith.constant 0 : i32
    %cond3A_98 = arith.cmpi ne, %convert_element_type3A_96, %cond3A_97 : i32
    scf.if %cond3A_98 {
      "tpu.region"() ({
        %run_scoped3A = tpu.sem_alloc : memref<!tpu.dma_semaphore, #tpu.memory_space<semaphore_mem>>
        %dma_start3A_163 = arith.constant 9984 : i32
        %dma_start3A_164 = arith.constant 0 : i32
        %dma_start3A_165 = tpu.memref_slice %arg17[%dma_start3A_163, %dma_start3A_164] : memref<10000x128xf32, #tpu.memory_space<vmem_shared>> -> memref<16x128xf32, #tpu.memory_space<vmem_shared>>
        %dma_start3A_166 = arith.constant 0 : i32
        %dma_start3A_167 = arith.constant 0 : i32
        %dma_start3A_168 = tpu.memref_slice %arg6[%dma_start3A_166, %dma_start3A_167] : memref<624x128xf32, #tpu.memory_space<hbm>> -> memref<16x128xf32, #tpu.memory_space<hbm>>
        tpu.enqueue_dma source(%dma_start3A_168 : memref<16x128xf32, #tpu.memory_space<hbm>>) target(%dma_start3A_165 : memref<16x128xf32, #tpu.memory_space<vmem_shared>>) target_semaphore(%run_scoped3A : memref<!tpu.dma_semaphore, #tpu.memory_space<semaphore_mem>>)
        %dma_wait3A_169 = arith.constant 9984 : i32
        %dma_wait3A_170 = arith.constant 0 : i32
        %dma_wait3A_171 = tpu.memref_slice %arg17[%dma_wait3A_169, %dma_wait3A_170] : memref<10000x128xf32, #tpu.memory_space<vmem_shared>> -> memref<16x128xf32, #tpu.memory_space<vmem_shared>>
        %dma_wait3A_172 = arith.constant 0 : i32
        %dma_wait3A_173 = arith.constant 0 : i32
        %dma_wait3A_174 = tpu.memref_slice %arg6[%dma_wait3A_172, %dma_wait3A_173] : memref<624x128xf32, #tpu.memory_space<hbm>> -> memref<16x128xf32, #tpu.memory_space<hbm>>
        tpu.wait_dma2 semaphore(%run_scoped3A : memref<!tpu.dma_semaphore, #tpu.memory_space<semaphore_mem>>) src(%dma_wait3A_174 : memref<16x128xf32, #tpu.memory_space<hbm>>) dst(%dma_wait3A_171 : memref<16x128xf32, #tpu.memory_space<vmem_shared>>)
        tpu.yield
      }) : () -> ()
    } else {
    }
    %broadcast_in_dim3A = arith.constant 1.000000e+00 : f32
    %broadcast_in_dim3A_99 = vector.broadcast %broadcast_in_dim3A : f32 to vector<16xf32>
    %scan3A_100 = arith.constant 0 : i32
    %scan3A_101 = arith.constant 80 : i32
    %scan3A_102 = arith.addi %scan3A_100, %scan3A_101 : i32
    %scan3A_103 = arith.constant 1 : i32
    scf.for %scan3A_163 = %scan3A_100 to %scan3A_102 step %scan3A_103  : i32 {
      %mul3A_164 = arith.constant 1 : i32
      %mul3A_165 = arith.muli %scan3A_163, %mul3A_164 : i32
      %add3A_166 = arith.constant 0 : i32
      %add3A_167 = arith.addi %add3A_166, %mul3A_165 : i32
      %swap3A = arith.index_cast %add3A_167 : i32 to index
      %swap3A_168 = arith.constant 0 : index
      %swap3A_169 = tpu.vector_load %arg13[%swap3A, %swap3A_168] {strides = array<i32>} : memref<80x128xf32, #tpu.memory_space<vmem>>, vector<1x16xf32>,
      %swap3A_170 = vector.shape_cast %swap3A_169 : vector<1x16xf32> to vector<16xf32>
      %swap3A_171 = vector.shape_cast %broadcast_in_dim3A_99 : vector<16xf32> to vector<1x16xf32>
      tpu.vector_store %arg13[%swap3A, %swap3A_168], %swap3A_171 {strides = array<i32>} : memref<80x128xf32, #tpu.memory_space<vmem>>, vector<1x16xf32>,
      %swap3A_172 = arith.index_cast %add3A_167 : i32 to index
      %swap3A_173 = arith.constant 16 : index
      %swap3A_174 = tpu.vector_load %arg13[%swap3A_172, %swap3A_173] {strides = array<i32>} : memref<80x128xf32, #tpu.memory_space<vmem>>, vector<1x16xf32>,
      %swap3A_175 = vector.shape_cast %swap3A_174 : vector<1x16xf32> to vector<16xf32>
      %swap3A_176 = vector.shape_cast %broadcast_in_dim3A_99 : vector<16xf32> to vector<1x16xf32>
      tpu.vector_store %arg13[%swap3A_172, %swap3A_173], %swap3A_176 {strides = array<i32>} : memref<80x128xf32, #tpu.memory_space<vmem>>, vector<1x16xf32>,
      %swap3A_177 = arith.index_cast %add3A_167 : i32 to index
      %swap3A_178 = arith.constant 32 : index
      %swap3A_179 = tpu.vector_load %arg13[%swap3A_177, %swap3A_178] {strides = array<i32>} : memref<80x128xf32, #tpu.memory_space<vmem>>, vector<1x16xf32>,
      %swap3A_180 = vector.shape_cast %swap3A_179 : vector<1x16xf32> to vector<16xf32>
      %swap3A_181 = vector.shape_cast %broadcast_in_dim3A_99 : vector<16xf32> to vector<1x16xf32>
      tpu.vector_store %arg13[%swap3A_177, %swap3A_178], %swap3A_181 {strides = array<i32>} : memref<80x128xf32, #tpu.memory_space<vmem>>, vector<1x16xf32>,
      %swap3A_182 = arith.index_cast %add3A_167 : i32 to index
      %swap3A_183 = arith.constant 48 : index
      %swap3A_184 = tpu.vector_load %arg13[%swap3A_182, %swap3A_183] {strides = array<i32>} : memref<80x128xf32, #tpu.memory_space<vmem>>, vector<1x16xf32>,
      %swap3A_185 = vector.shape_cast %swap3A_184 : vector<1x16xf32> to vector<16xf32>
      %swap3A_186 = vector.shape_cast %broadcast_in_dim3A_99 : vector<16xf32> to vector<1x16xf32>
      tpu.vector_store %arg13[%swap3A_182, %swap3A_183], %swap3A_186 {strides = array<i32>} : memref<80x128xf32, #tpu.memory_space<vmem>>, vector<1x16xf32>,
      %swap3A_187 = arith.index_cast %add3A_167 : i32 to index
      %swap3A_188 = arith.constant 64 : index
      %swap3A_189 = tpu.vector_load %arg13[%swap3A_187, %swap3A_188] {strides = array<i32>} : memref<80x128xf32, #tpu.memory_space<vmem>>, vector<1x16xf32>,
      %swap3A_190 = vector.shape_cast %swap3A_189 : vector<1x16xf32> to vector<16xf32>
      %swap3A_191 = vector.shape_cast %broadcast_in_dim3A_99 : vector<16xf32> to vector<1x16xf32>
      tpu.vector_store %arg13[%swap3A_187, %swap3A_188], %swap3A_191 {strides = array<i32>} : memref<80x128xf32, #tpu.memory_space<vmem>>, vector<1x16xf32>,
      %swap3A_192 = arith.index_cast %add3A_167 : i32 to index
      %swap3A_193 = arith.constant 80 : index
      %swap3A_194 = tpu.vector_load %arg13[%swap3A_192, %swap3A_193] {strides = array<i32>} : memref<80x128xf32, #tpu.memory_space<vmem>>, vector<1x16xf32>,
      %swap3A_195 = vector.shape_cast %swap3A_194 : vector<1x16xf32> to vector<16xf32>
      %swap3A_196 = vector.shape_cast %broadcast_in_dim3A_99 : vector<16xf32> to vector<1x16xf32>
      tpu.vector_store %arg13[%swap3A_192, %swap3A_193], %swap3A_196 {strides = array<i32>} : memref<80x128xf32, #tpu.memory_space<vmem>>, vector<1x16xf32>,
      %swap3A_197 = arith.index_cast %add3A_167 : i32 to index
      %swap3A_198 = arith.constant 96 : index
      %swap3A_199 = tpu.vector_load %arg13[%swap3A_197, %swap3A_198] {strides = array<i32>} : memref<80x128xf32, #tpu.memory_space<vmem>>, vector<1x16xf32>,
      %swap3A_200 = vector.shape_cast %swap3A_199 : vector<1x16xf32> to vector<16xf32>
      %swap3A_201 = vector.shape_cast %broadcast_in_dim3A_99 : vector<16xf32> to vector<1x16xf32>
      tpu.vector_store %arg13[%swap3A_197, %swap3A_198], %swap3A_201 {strides = array<i32>} : memref<80x128xf32, #tpu.memory_space<vmem>>, vector<1x16xf32>,
      %swap3A_202 = arith.index_cast %add3A_167 : i32 to index
      %swap3A_203 = arith.constant 112 : index
      %swap3A_204 = tpu.vector_load %arg13[%swap3A_202, %swap3A_203] {strides = array<i32>} : memref<80x128xf32, #tpu.memory_space<vmem>>, vector<1x16xf32>,
      %swap3A_205 = vector.shape_cast %swap3A_204 : vector<1x16xf32> to vector<16xf32>
      %swap3A_206 = vector.shape_cast %broadcast_in_dim3A_99 : vector<16xf32> to vector<1x16xf32>
      tpu.vector_store %arg13[%swap3A_202, %swap3A_203], %swap3A_206 {strides = array<i32>} : memref<80x128xf32, #tpu.memory_space<vmem>>, vector<1x16xf32>,
    }
    %scan3A_104 = arith.constant 80 : i32
    %barrier3A_105 = arith.constant 0 : index
    tpu.barrier barrier_id(%barrier3A_105)
    %min3A_106 = arith.constant 0 : i32
    %min3A_107 = arith.constant 124 : i32
    %min3A_108 = arith.minsi %min3A_106, %min3A_107 : i32
    %mul3A_109 = arith.constant 32 : i32
    %mul3A_110 = arith.muli %min3A_108, %mul3A_109 : i32
    %add3A_111 = arith.addi %add3A, %mul3A_110 : i32
    %mul3A_112 = arith.constant 80 : i32
    %mul3A_113 = arith.muli %add3A_111, %mul3A_112 : i32
    %dma_start3A_114 = tpu.memref_slice %arg5[%mul3A_113] : memref<320000xi32, #tpu.memory_space<hbm>> -> memref<80xi32, #tpu.memory_space<hbm>>
    %dma_start3A_115 = tpu.memref_slice %arg5[%mul3A_113] : memref<320000xi32, #tpu.memory_space<hbm>> -> memref<80xi32, #tpu.memory_space<hbm>>
    tpu.enqueue_dma source(%dma_start3A_115 : memref<80xi32, #tpu.memory_space<hbm>>) target(%arg11 : memref<80xi32, #tpu.memory_space<vmem>>) target_semaphore(%arg18 : memref<!tpu.dma_semaphore, #tpu.memory_space<semaphore_mem>>)
    %min3A_116 = arith.constant 0 : i32
    %min3A_117 = arith.constant 124 : i32
    %min3A_118 = arith.minsi %min3A_116, %min3A_117 : i32
    %mul3A_119 = arith.constant 32 : i32
    %mul3A_120 = arith.muli %min3A_118, %mul3A_119 : i32
    %add3A_121 = arith.addi %add3A, %mul3A_120 : i32
    %mul3A_122 = arith.constant 80 : i32
    %mul3A_123 = arith.muli %add3A_121, %mul3A_122 : i32
    %dma_wait3A_124 = tpu.memref_slice %arg5[%mul3A_123] : memref<320000xi32, #tpu.memory_space<hbm>> -> memref<80xi32, #tpu.memory_space<hbm>>
    %dma_wait3A_125 = tpu.memref_slice %arg5[%mul3A_123] : memref<320000xi32, #tpu.memory_space<hbm>> -> memref<80xi32, #tpu.memory_space<hbm>>
    tpu.wait_dma2 semaphore(%arg18 : memref<!tpu.dma_semaphore, #tpu.memory_space<semaphore_mem>>) src(%dma_wait3A_125 : memref<80xi32, #tpu.memory_space<hbm>>) dst(%arg11 : memref<80xi32, #tpu.memory_space<vmem>>)
    %min3A_126 = arith.constant 1 : i32
    %min3A_127 = arith.constant 124 : i32
    %min3A_128 = arith.minsi %min3A_126, %min3A_127 : i32
    %mul3A_129 = arith.constant 32 : i32
    %mul3A_130 = arith.muli %min3A_128, %mul3A_129 : i32
    %add3A_131 = arith.addi %add3A, %mul3A_130 : i32
    %mul3A_132 = arith.constant 80 : i32
    %mul3A_133 = arith.muli %add3A_131, %mul3A_132 : i32
    %dma_start3A_134 = tpu.memref_slice %arg5[%mul3A_133] : memref<320000xi32, #tpu.memory_space<hbm>> -> memref<80xi32, #tpu.memory_space<hbm>>
    %dma_start3A_135 = tpu.memref_slice %arg5[%mul3A_133] : memref<320000xi32, #tpu.memory_space<hbm>> -> memref<80xi32, #tpu.memory_space<hbm>>
    tpu.enqueue_dma source(%dma_start3A_135 : memref<80xi32, #tpu.memory_space<hbm>>) target(%arg12 : memref<80xi32, #tpu.memory_space<vmem>>) target_semaphore(%arg19 : memref<!tpu.dma_semaphore, #tpu.memory_space<semaphore_mem>>)
    %dma_start3A_136 = arith.constant 0 : i32
    %dma_start3A_137 = arith.constant 0 : i32
    %dma_start3A_138 = tpu.memref_slice %arg17[%dma_start3A_136, %dma_start3A_137] : memref<10000x128xf32, #tpu.memory_space<vmem_shared>> -> memref<10000x128xf32, #tpu.memory_space<vmem_shared>>
    tpu.enqueue_indirect_dma source(%arg13 : memref<80x128xf32, #tpu.memory_space<vmem>>) target(%dma_start3A_138 : memref<10000x128xf32, #tpu.memory_space<vmem_shared>>) offsets(%arg11 : memref<80xi32, #tpu.memory_space<vmem>>) semaphore(%arg22 : memref<!tpu.dma_semaphore, #tpu.memory_space<semaphore_mem>>) {add = true}
    %scan3A_139 = arith.constant 0 : i32
    %scan3A_140 = arith.constant 62 : i32
    %scan3A_141 = arith.addi %scan3A_139, %scan3A_140 : i32
    %scan3A_142 = arith.constant 1 : i32
    scf.for %scan3A_163 = %scan3A_139 to %scan3A_141 step %scan3A_142  : i32 {
      %mul3A_164 = arith.constant 1 : i32
      %mul3A_165 = arith.muli %scan3A_163, %mul3A_164 : i32
      %add3A_166 = arith.constant 0 : i32
      %add3A_167 = arith.addi %add3A_166, %mul3A_165 : i32
      %mul3A_168 = arith.constant 2 : i32
      %mul3A_169 = arith.muli %mul3A_168, %add3A_167 : i32
      %add3A_170 = arith.constant 1 : i32
      %add3A_171 = arith.addi %add3A_170, %mul3A_169 : i32
      %min3A_172 = arith.constant 124 : i32
      %min3A_173 = arith.minsi %add3A_171, %min3A_172 : i32
      %mul3A_174 = arith.constant 32 : i32
      %mul3A_175 = arith.muli %min3A_173, %mul3A_174 : i32
      %add3A_176 = arith.addi %add3A, %mul3A_175 : i32
      %mul3A_177 = arith.constant 80 : i32
      %mul3A_178 = arith.muli %add3A_176, %mul3A_177 : i32
      %dma_wait3A_179 = tpu.memref_slice %arg5[%mul3A_178] : memref<320000xi32, #tpu.memory_space<hbm>> -> memref<80xi32, #tpu.memory_space<hbm>>
      %dma_wait3A_180 = tpu.memref_slice %arg5[%mul3A_178] : memref<320000xi32, #tpu.memory_space<hbm>> -> memref<80xi32, #tpu.memory_space<hbm>>
      tpu.wait_dma2 semaphore(%arg19 : memref<!tpu.dma_semaphore, #tpu.memory_space<semaphore_mem>>) src(%dma_wait3A_180 : memref<80xi32, #tpu.memory_space<hbm>>) dst(%arg12 : memref<80xi32, #tpu.memory_space<vmem>>)
      %dma_wait3A_181 = arith.constant 0 : i32
      %dma_wait3A_182 = arith.constant 0 : i32
      %dma_wait3A_183 = tpu.memref_slice %arg17[%dma_wait3A_181, %dma_wait3A_182] : memref<10000x128xf32, #tpu.memory_space<vmem_shared>> -> memref<10000x128xf32, #tpu.memory_space<vmem_shared>>
      tpu.wait_indirect_dma semaphore(%arg22 : memref<!tpu.dma_semaphore, #tpu.memory_space<semaphore_mem>>) src(%arg13 : memref<80x128xf32, #tpu.memory_space<vmem>>) dst(%dma_wait3A_183 : memref<10000x128xf32, #tpu.memory_space<vmem_shared>>)
      %add3A_184 = arith.constant 1 : i32
      %add3A_185 = arith.addi %add3A_171, %add3A_184 : i32
      %min3A_186 = arith.constant 124 : i32
      %min3A_187 = arith.minsi %add3A_185, %min3A_186 : i32
      %mul3A_188 = arith.constant 32 : i32
      %mul3A_189 = arith.muli %min3A_187, %mul3A_188 : i32
      %add3A_190 = arith.addi %add3A, %mul3A_189 : i32
      %mul3A_191 = arith.constant 80 : i32
      %mul3A_192 = arith.muli %add3A_190, %mul3A_191 : i32
      %dma_start3A_193 = tpu.memref_slice %arg5[%mul3A_192] : memref<320000xi32, #tpu.memory_space<hbm>> -> memref<80xi32, #tpu.memory_space<hbm>>
      %dma_start3A_194 = tpu.memref_slice %arg5[%mul3A_192] : memref<320000xi32, #tpu.memory_space<hbm>> -> memref<80xi32, #tpu.memory_space<hbm>>
      tpu.enqueue_dma source(%dma_start3A_194 : memref<80xi32, #tpu.memory_space<hbm>>) target(%arg11 : memref<80xi32, #tpu.memory_space<vmem>>) target_semaphore(%arg18 : memref<!tpu.dma_semaphore, #tpu.memory_space<semaphore_mem>>)
      %dma_start3A_195 = arith.constant 0 : i32
      %dma_start3A_196 = arith.constant 0 : i32
      %dma_start3A_197 = tpu.memref_slice %arg17[%dma_start3A_195, %dma_start3A_196] : memref<10000x128xf32, #tpu.memory_space<vmem_shared>> -> memref<10000x128xf32, #tpu.memory_space<vmem_shared>>
      tpu.enqueue_indirect_dma source(%arg13 : memref<80x128xf32, #tpu.memory_space<vmem>>) target(%dma_start3A_197 : memref<10000x128xf32, #tpu.memory_space<vmem_shared>>) offsets(%arg12 : memref<80xi32, #tpu.memory_space<vmem>>) semaphore(%arg23 : memref<!tpu.dma_semaphore, #tpu.memory_space<semaphore_mem>>) {add = true}
      %mul3A_198 = arith.constant 2 : i32
      %mul3A_199 = arith.muli %mul3A_198, %add3A_167 : i32
      %add3A_200 = arith.constant 2 : i32
      %add3A_201 = arith.addi %add3A_200, %mul3A_199 : i32
      %min3A_202 = arith.constant 124 : i32
      %min3A_203 = arith.minsi %add3A_201, %min3A_202 : i32
      %mul3A_204 = arith.constant 32 : i32
      %mul3A_205 = arith.muli %min3A_203, %mul3A_204 : i32
      %add3A_206 = arith.addi %add3A, %mul3A_205 : i32
      %mul3A_207 = arith.constant 80 : i32
      %mul3A_208 = arith.muli %add3A_206, %mul3A_207 : i32
      %dma_wait3A_209 = tpu.memref_slice %arg5[%mul3A_208] : memref<320000xi32, #tpu.memory_space<hbm>> -> memref<80xi32, #tpu.memory_space<hbm>>
      %dma_wait3A_210 = tpu.memref_slice %arg5[%mul3A_208] : memref<320000xi32, #tpu.memory_space<hbm>> -> memref<80xi32, #tpu.memory_space<hbm>>
      tpu.wait_dma2 semaphore(%arg18 : memref<!tpu.dma_semaphore, #tpu.memory_space<semaphore_mem>>) src(%dma_wait3A_210 : memref<80xi32, #tpu.memory_space<hbm>>) dst(%arg11 : memref<80xi32, #tpu.memory_space<vmem>>)
      %dma_wait3A_211 = arith.constant 0 : i32
      %dma_wait3A_212 = arith.constant 0 : i32
      %dma_wait3A_213 = tpu.memref_slice %arg17[%dma_wait3A_211, %dma_wait3A_212] : memref<10000x128xf32, #tpu.memory_space<vmem_shared>> -> memref<10000x128xf32, #tpu.memory_space<vmem_shared>>
      tpu.wait_indirect_dma semaphore(%arg23 : memref<!tpu.dma_semaphore, #tpu.memory_space<semaphore_mem>>) src(%arg13 : memref<80x128xf32, #tpu.memory_space<vmem>>) dst(%dma_wait3A_213 : memref<10000x128xf32, #tpu.memory_space<vmem_shared>>)
      %add3A_214 = arith.constant 1 : i32
      %add3A_215 = arith.addi %add3A_201, %add3A_214 : i32
      %min3A_216 = arith.constant 124 : i32
      %min3A_217 = arith.minsi %add3A_215, %min3A_216 : i32
      %mul3A_218 = arith.constant 32 : i32
      %mul3A_219 = arith.muli %min3A_217, %mul3A_218 : i32
      %add3A_220 = arith.addi %add3A, %mul3A_219 : i32
      %mul3A_221 = arith.constant 80 : i32
      %mul3A_222 = arith.muli %add3A_220, %mul3A_221 : i32
      %dma_start3A_223 = tpu.memref_slice %arg5[%mul3A_222] : memref<320000xi32, #tpu.memory_space<hbm>> -> memref<80xi32, #tpu.memory_space<hbm>>
      %dma_start3A_224 = tpu.memref_slice %arg5[%mul3A_222] : memref<320000xi32, #tpu.memory_space<hbm>> -> memref<80xi32, #tpu.memory_space<hbm>>
      tpu.enqueue_dma source(%dma_start3A_224 : memref<80xi32, #tpu.memory_space<hbm>>) target(%arg12 : memref<80xi32, #tpu.memory_space<vmem>>) target_semaphore(%arg19 : memref<!tpu.dma_semaphore, #tpu.memory_space<semaphore_mem>>)
      %dma_start3A_225 = arith.constant 0 : i32
      %dma_start3A_226 = arith.constant 0 : i32
      %dma_start3A_227 = tpu.memref_slice %arg17[%dma_start3A_225, %dma_start3A_226] : memref<10000x128xf32, #tpu.memory_space<vmem_shared>> -> memref<10000x128xf32, #tpu.memory_space<vmem_shared>>
      tpu.enqueue_indirect_dma source(%arg13 : memref<80x128xf32, #tpu.memory_space<vmem>>) target(%dma_start3A_227 : memref<10000x128xf32, #tpu.memory_space<vmem_shared>>) offsets(%arg11 : memref<80xi32, #tpu.memory_space<vmem>>) semaphore(%arg22 : memref<!tpu.dma_semaphore, #tpu.memory_space<semaphore_mem>>) {add = true}
    }
    %scan3A_143 = arith.constant 62 : i32
    %dma_wait3A_144 = arith.constant 0 : i32
    %dma_wait3A_145 = arith.constant 0 : i32
    %dma_wait3A_146 = tpu.memref_slice %arg17[%dma_wait3A_144, %dma_wait3A_145] : memref<10000x128xf32, #tpu.memory_space<vmem_shared>> -> memref<10000x128xf32, #tpu.memory_space<vmem_shared>>
    tpu.wait_indirect_dma semaphore(%arg22 : memref<!tpu.dma_semaphore, #tpu.memory_space<semaphore_mem>>) src(%arg13 : memref<80x128xf32, #tpu.memory_space<vmem>>) dst(%dma_wait3A_146 : memref<10000x128xf32, #tpu.memory_space<vmem_shared>>)
    %min3A_147 = arith.constant 125 : i32
    %min3A_148 = arith.constant 124 : i32
    %min3A_149 = arith.minsi %min3A_147, %min3A_148 : i32
    %mul3A_150 = arith.constant 32 : i32
    %mul3A_151 = arith.muli %min3A_149, %mul3A_150 : i32
    %add3A_152 = arith.addi %add3A, %mul3A_151 : i32
    %mul3A_153 = arith.constant 80 : i32
    %mul3A_154 = arith.muli %add3A_152, %mul3A_153 : i32
    %dma_wait3A_155 = tpu.memref_slice %arg5[%mul3A_154] : memref<320000xi32, #tpu.memory_space<hbm>> -> memref<80xi32, #tpu.memory_space<hbm>>
    %dma_wait3A_156 = tpu.memref_slice %arg5[%mul3A_154] : memref<320000xi32, #tpu.memory_space<hbm>> -> memref<80xi32, #tpu.memory_space<hbm>>
    tpu.wait_dma2 semaphore(%arg19 : memref<!tpu.dma_semaphore, #tpu.memory_space<semaphore_mem>>) src(%dma_wait3A_156 : memref<80xi32, #tpu.memory_space<hbm>>) dst(%arg12 : memref<80xi32, #tpu.memory_space<vmem>>)
    %barrier3A_157 = arith.constant 0 : index
    tpu.barrier barrier_id(%barrier3A_157)
    "tpu.region"() ({
      %run_scoped3A = tpu.sem_alloc : memref<!tpu.dma_semaphore, #tpu.memory_space<semaphore_mem>>
      %dma_start3A_163 = arith.constant 0 : i32
      %dma_start3A_164 = tpu.memref_slice %arg8[%arg0, %mul3A_2, %dma_start3A_163] : memref<2x10000x128xf32, #tpu.memory_space<hbm>> -> memref<1x624x128xf32, #tpu.memory_space<hbm>>
      %dma_start3A_165 = tpu.memref_squeeze %dma_start3A_164 : memref<1x624x128xf32, #tpu.memory_space<hbm>> -> memref<624x128xf32, #tpu.memory_space<hbm>>
      %dma_start3A_166 = arith.constant 0 : i32
      %dma_start3A_167 = tpu.memref_slice %arg17[%mul3A_2, %dma_start3A_166] : memref<10000x128xf32, #tpu.memory_space<vmem_shared>> -> memref<624x128xf32, #tpu.memory_space<vmem_shared>>
      tpu.enqueue_dma source(%dma_start3A_167 : memref<624x128xf32, #tpu.memory_space<vmem_shared>>) target(%dma_start3A_165 : memref<624x128xf32, #tpu.memory_space<hbm>>) target_semaphore(%run_scoped3A : memref<!tpu.dma_semaphore, #tpu.memory_space<semaphore_mem>>)
      %dma_wait3A_168 = arith.constant 0 : i32
      %dma_wait3A_169 = tpu.memref_slice %arg8[%arg0, %mul3A_2, %dma_wait3A_168] : memref<2x10000x128xf32, #tpu.memory_space<hbm>> -> memref<1x624x128xf32, #tpu.memory_space<hbm>>
      %dma_wait3A_170 = tpu.memref_squeeze %dma_wait3A_169 : memref<1x624x128xf32, #tpu.memory_space<hbm>> -> memref<624x128xf32, #tpu.memory_space<hbm>>
      %dma_wait3A_171 = arith.constant 0 : i32
      %dma_wait3A_172 = tpu.memref_slice %arg17[%mul3A_2, %dma_wait3A_171] : memref<10000x128xf32, #tpu.memory_space<vmem_shared>> -> memref<624x128xf32, #tpu.memory_space<vmem_shared>>
      tpu.wait_dma2 semaphore(%run_scoped3A : memref<!tpu.dma_semaphore, #tpu.memory_space<semaphore_mem>>) src(%dma_wait3A_172 : memref<624x128xf32, #tpu.memory_space<vmem_shared>>) dst(%dma_wait3A_170 : memref<624x128xf32, #tpu.memory_space<hbm>>)
      tpu.yield
    }) : () -> ()
    %eq3A_158 = arith.constant 15 : i32
    %eq3A_159 = arith.cmpi eq, %arg1, %eq3A_158 : i32
    %convert_element_type3A_160 = arith.extui %eq3A_159 : i1 to i32
    %cond3A_161 = arith.constant 0 : i32
    %cond3A_162 = arith.cmpi ne, %convert_element_type3A_160, %cond3A_161 : i32
    scf.if %cond3A_162 {
      "tpu.region"() ({
        %run_scoped3A = tpu.sem_alloc : memref<!tpu.dma_semaphore, #tpu.memory_space<semaphore_mem>>
        %dma_start3A_163 = arith.constant 9984 : i32
        %dma_start3A_164 = arith.constant 0 : i32
        %dma_start3A_165 = tpu.memref_slice %arg8[%arg0, %dma_start3A_163, %dma_start3A_164] : memref<2x10000x128xf32, #tpu.memory_space<hbm>> -> memref<1x16x128xf32, #tpu.memory_space<hbm>>
        %dma_start3A_166 = tpu.memref_squeeze %dma_start3A_165 : memref<1x16x128xf32, #tpu.memory_space<hbm>> -> memref<16x128xf32, #tpu.memory_space<hbm>>
        %dma_start3A_167 = arith.constant 9984 : i32
        %dma_start3A_168 = arith.constant 0 : i32
        %dma_start3A_169 = tpu.memref_slice %arg17[%dma_start3A_167, %dma_start3A_168] : memref<10000x128xf32, #tpu.memory_space<vmem_shared>> -> memref<16x128xf32, #tpu.memory_space<vmem_shared>>
        tpu.enqueue_dma source(%dma_start3A_169 : memref<16x128xf32, #tpu.memory_space<vmem_shared>>) target(%dma_start3A_166 : memref<16x128xf32, #tpu.memory_space<hbm>>) target_semaphore(%run_scoped3A : memref<!tpu.dma_semaphore, #tpu.memory_space<semaphore_mem>>)
        %dma_wait3A_170 = arith.constant 9984 : i32
        %dma_wait3A_171 = arith.constant 0 : i32
        %dma_wait3A_172 = tpu.memref_slice %arg8[%arg0, %dma_wait3A_170, %dma_wait3A_171] : memref<2x10000x128xf32, #tpu.memory_space<hbm>> -> memref<1x16x128xf32, #tpu.memory_space<hbm>>
        %dma_wait3A_173 = tpu.memref_squeeze %dma_wait3A_172 : memref<1x16x128xf32, #tpu.memory_space<hbm>> -> memref<16x128xf32, #tpu.memory_space<hbm>>
        %dma_wait3A_174 = arith.constant 9984 : i32
        %dma_wait3A_175 = arith.constant 0 : i32
        %dma_wait3A_176 = tpu.memref_slice %arg17[%dma_wait3A_174, %dma_wait3A_175] : memref<10000x128xf32, #tpu.memory_space<vmem_shared>> -> memref<16x128xf32, #tpu.memory_space<vmem_shared>>
        tpu.wait_dma2 semaphore(%run_scoped3A : memref<!tpu.dma_semaphore, #tpu.memory_space<semaphore_mem>>) src(%dma_wait3A_176 : memref<16x128xf32, #tpu.memory_space<vmem_shared>>) dst(%dma_wait3A_173 : memref<16x128xf32, #tpu.memory_space<hbm>>)
        tpu.yield
      }) : () -> ()
    } else {
    }
    return
  }
}

module attributes {stable_mosaic.version = 14 : i64} {
  func.func @_pq_body(%arg0: i32, %arg1: memref<3200x16xf32, #tpu.memory_space<vmem>>, %arg2: memref<16x128xf32, #tpu.memory_space<vmem>>, %arg3: memref<2000x128xf32, #tpu.memory_space<vmem>>, %arg4: memref<128x128xf32, #tpu.memory_space<vmem>>, %arg5: memref<1x128xf32, #tpu.memory_space<vmem>>, %arg6: memref<3200x128xf32, #tpu.memory_space<vmem>>, %arg7: memref<2000x128xf32, #tpu.memory_space<vmem>>) attributes {dimension_semantics = [#tpu.dimension_semantics<arbitrary>], iteration_bounds = array<i64: 100>, scalar_prefetch = 0 : i64, scratch_operands = 0 : i64, tpu.core_type = #tpu.core_type<tc>, window_params = [{transform_indices = @transform_0, window_bounds = array<i64: 3200, 16>}, {pipeline_mode = #tpu.pipeline_mode<synchronous>, transform_indices = @transform_1, window_bounds = array<i64: 16, 128>}, {transform_indices = @transform_2, window_bounds = array<i64: 2000, 128>}, {pipeline_mode = #tpu.pipeline_mode<synchronous>, transform_indices = @transform_3, window_bounds = array<i64: 128, 128>}, {pipeline_mode = #tpu.pipeline_mode<synchronous>, transform_indices = @transform_4, window_bounds = array<i64: 1, 128>}, {transform_indices = @transform_5, window_bounds = array<i64: 3200, 128>}, {transform_indices = @transform_6, window_bounds = array<i64: 2000, 128>}]} {
    %get3A = arith.constant 0 : index
    %get3A_0 = arith.constant 0 : index
    %get3A_1 = vector.load %arg1[%get3A, %get3A_0] : memref<3200x16xf32, #tpu.memory_space<vmem>>, vector<3200x16xf32>
    %get3A_2 = arith.constant 0 : index
    %get3A_3 = arith.constant 0 : index
    %get3A_4 = vector.load %arg2[%get3A_2, %get3A_3] : memref<16x128xf32, #tpu.memory_space<vmem>>, vector<16x128xf32>
    %dot_general3A = arith.constant dense<0.000000e+00> : vector<3200x128xf32>
    %dot_general3A_5 = tpu.matmul %get3A_1, %get3A_4, %dot_general3A {dimension_numbers = #tpu.dot_dimension_numbers<[1], [0], [0], [1], [0, 0, 1, 1], [], []>, transpose_lhs_hint = false} : vector<3200x16xf32>, vector<16x128xf32>, vector<3200x128xf32> -> vector<3200x128xf32>
    %swap3A = arith.constant 0 : index
    %swap3A_6 = arith.constant 0 : index
    %swap3A_7 = vector.load %arg6[%swap3A, %swap3A_6] : memref<3200x128xf32, #tpu.memory_space<vmem>>, vector<3200x128xf32>
    tpu.vector_store %arg6[%swap3A, %swap3A_6], %dot_general3A_5 {strides = array<i32>} : memref<3200x128xf32, #tpu.memory_space<vmem>>, vector<3200x128xf32>,
    %lt3A = arith.constant 5 : i32
    %lt3A_8 = arith.cmpi slt, %arg0, %lt3A : i32
    %convert_element_type3A = arith.extui %lt3A_8 : i1 to i32
    %cond3A = arith.constant 0 : i32
    %cond3A_9 = arith.cmpi ne, %convert_element_type3A, %cond3A : i32
    scf.if %cond3A_9 {
      %get3A_10 = arith.constant 0 : index
      %get3A_11 = arith.constant 0 : index
      %get3A_12 = vector.load %arg3[%get3A_10, %get3A_11] : memref<2000x128xf32, #tpu.memory_space<vmem>>, vector<2000x128xf32>
      %get3A_13 = arith.constant 0 : index
      %get3A_14 = arith.constant 0 : index
      %get3A_15 = vector.load %arg4[%get3A_13, %get3A_14] : memref<128x128xf32, #tpu.memory_space<vmem>>, vector<128x128xf32>
      %dot_general3A_16 = arith.constant dense<0.000000e+00> : vector<2000x128xf32>
      %dot_general3A_17 = tpu.matmul %get3A_12, %get3A_15, %dot_general3A_16 {dimension_numbers = #tpu.dot_dimension_numbers<[1], [0], [0], [1], [0, 0, 1, 1], [], []>, transpose_lhs_hint = false} : vector<2000x128xf32>, vector<128x128xf32>, vector<2000x128xf32> -> vector<2000x128xf32>
      %get3A_18 = arith.constant 0 : index
      %get3A_19 = arith.constant 0 : index
      %get3A_20 = vector.load %arg5[%get3A_18, %get3A_19] : memref<1x128xf32, #tpu.memory_space<vmem>>, vector<1x128xf32>
      %add3A = vector.broadcast %get3A_20 : vector<1x128xf32> to vector<2000x128xf32>
      %add3A_21 = arith.addf %dot_general3A_17, %add3A : vector<2000x128xf32>
      %swap3A_22 = arith.constant 0 : index
      %swap3A_23 = arith.constant 0 : index
      %swap3A_24 = vector.load %arg7[%swap3A_22, %swap3A_23] : memref<2000x128xf32, #tpu.memory_space<vmem>>, vector<2000x128xf32>
      tpu.vector_store %arg7[%swap3A_22, %swap3A_23], %add3A_21 {strides = array<i32>} : memref<2000x128xf32, #tpu.memory_space<vmem>>, vector<2000x128xf32>,
    } else {
    }
    return
  }
  func.func @transform_0(%arg0: i32) -> (i32, i32) {
    %c0_i32 = arith.constant 0 : i32
    %c0_i32_0 = arith.constant 0 : i32
    return %arg0, %c0_i32 : i32, i32
  }
  func.func @transform_1(%arg0: i32) -> (i32, i32) {
    %c0_i32 = arith.constant 0 : i32
    %c0_i32_0 = arith.constant 0 : i32
    %c0_i32_1 = arith.constant 0 : i32
    return %c0_i32, %c0_i32_0 : i32, i32
  }
  func.func @transform_2(%arg0: i32) -> (i32, i32) {
    %min3A = arith.constant 4 : i32
    %min3A_0 = arith.minsi %arg0, %min3A : i32
    %c0_i32 = arith.constant 0 : i32
    %c0_i32_1 = arith.constant 0 : i32
    return %min3A_0, %c0_i32 : i32, i32
  }
  func.func @transform_3(%arg0: i32) -> (i32, i32) {
    %c0_i32 = arith.constant 0 : i32
    %c0_i32_0 = arith.constant 0 : i32
    %c0_i32_1 = arith.constant 0 : i32
    return %c0_i32, %c0_i32_0 : i32, i32
  }
  func.func @transform_4(%arg0: i32) -> (i32, i32) {
    %c0_i32 = arith.constant 0 : i32
    %c0_i32_0 = arith.constant 0 : i32
    %c0_i32_1 = arith.constant 0 : i32
    return %c0_i32, %c0_i32_0 : i32, i32
  }
  func.func @transform_5(%arg0: i32) -> (i32, i32) {
    %c0_i32 = arith.constant 0 : i32
    %c0_i32_0 = arith.constant 0 : i32
    return %arg0, %c0_i32 : i32, i32
  }
  func.func @transform_6(%arg0: i32) -> (i32, i32) {
    %min3A = arith.constant 4 : i32
    %min3A_0 = arith.minsi %arg0, %min3A : i32
    %c0_i32 = arith.constant 0 : i32
    %c0_i32_1 = arith.constant 0 : i32
    return %min3A_0, %c0_i32 : i32, i32
  }
}

module attributes {stable_mosaic.version = 14 : i64} {
  func.func @_node_body(%arg0: i32, %arg1: memref<2000x128xf32, #tpu.memory_space<vmem>>, %arg2: memref<2x2000x128xf32, #tpu.memory_space<vmem>>, %arg3: memref<2x2000x128xf32, #tpu.memory_space<vmem>>, %arg4: memref<128x128xf32, #tpu.memory_space<vmem>>, %arg5: memref<1x128xf32, #tpu.memory_space<vmem>>, %arg6: memref<128x128xf32, #tpu.memory_space<vmem>>, %arg7: memref<128x128xf32, #tpu.memory_space<vmem>>, %arg8: memref<1x128xf32, #tpu.memory_space<vmem>>, %arg9: memref<128x128xf32, #tpu.memory_space<vmem>>, %arg10: memref<1x128xf32, #tpu.memory_space<vmem>>, %arg11: memref<128x128xf32, #tpu.memory_space<vmem>>, %arg12: memref<128x128xf32, #tpu.memory_space<vmem>>, %arg13: memref<1x128xf32, #tpu.memory_space<vmem>>, %arg14: memref<2000x128xf32, #tpu.memory_space<vmem>>) attributes {dimension_semantics = [#tpu.dimension_semantics<arbitrary>], iteration_bounds = array<i64: 5>, scalar_prefetch = 0 : i64, scratch_operands = 0 : i64, tpu.core_type = #tpu.core_type<tc>, window_params = [{transform_indices = @transform_0, window_bounds = array<i64: 2000, 128>}, {transform_indices = @transform_1, window_bounds = array<i64: 2, 2000, 128>}, {transform_indices = @transform_2, window_bounds = array<i64: 2, 2000, 128>}, {pipeline_mode = #tpu.pipeline_mode<synchronous>, transform_indices = @transform_3, window_bounds = array<i64: 128, 128>}, {pipeline_mode = #tpu.pipeline_mode<synchronous>, transform_indices = @transform_4, window_bounds = array<i64: 1, 128>}, {pipeline_mode = #tpu.pipeline_mode<synchronous>, transform_indices = @transform_5, window_bounds = array<i64: 128, 128>}, {pipeline_mode = #tpu.pipeline_mode<synchronous>, transform_indices = @transform_6, window_bounds = array<i64: 128, 128>}, {pipeline_mode = #tpu.pipeline_mode<synchronous>, transform_indices = @transform_7, window_bounds = array<i64: 1, 128>}, {pipeline_mode = #tpu.pipeline_mode<synchronous>, transform_indices = @transform_8, window_bounds = array<i64: 128, 128>}, {pipeline_mode = #tpu.pipeline_mode<synchronous>, transform_indices = @transform_9, window_bounds = array<i64: 1, 128>}, {pipeline_mode = #tpu.pipeline_mode<synchronous>, transform_indices = @transform_10, window_bounds = array<i64: 128, 128>}, {pipeline_mode = #tpu.pipeline_mode<synchronous>, transform_indices = @transform_11, window_bounds = array<i64: 128, 128>}, {pipeline_mode = #tpu.pipeline_mode<synchronous>, transform_indices = @transform_12, window_bounds = array<i64: 1, 128>}, {transform_indices = @transform_13, window_bounds = array<i64: 2000, 128>}]} {
    %get3A = arith.constant 0 : index
    %get3A_0 = arith.constant 0 : index
    %get3A_1 = vector.load %arg1[%get3A, %get3A_0] : memref<2000x128xf32, #tpu.memory_space<vmem>>, vector<2000x128xf32>
    %get3A_2 = arith.constant 0 : index
    %get3A_3 = arith.constant 0 : index
    %get3A_4 = arith.constant 0 : index
    %get3A_5 = vector.load %arg2[%get3A_2, %get3A_3, %get3A_4] : memref<2x2000x128xf32, #tpu.memory_space<vmem>>, vector<1x2000x128xf32>
    %get3A_6 = vector.shape_cast %get3A_5 : vector<1x2000x128xf32> to vector<2000x128xf32>
    %get3A_7 = arith.constant 1 : index
    %get3A_8 = arith.constant 0 : index
    %get3A_9 = arith.constant 0 : index
    %get3A_10 = vector.load %arg2[%get3A_7, %get3A_8, %get3A_9] : memref<2x2000x128xf32, #tpu.memory_space<vmem>>, vector<1x2000x128xf32>
    %get3A_11 = vector.shape_cast %get3A_10 : vector<1x2000x128xf32> to vector<2000x128xf32>
    %add3A = arith.addf %get3A_6, %get3A_11 : vector<2000x128xf32>
    %get3A_12 = arith.constant 0 : index
    %get3A_13 = arith.constant 0 : index
    %get3A_14 = arith.constant 0 : index
    %get3A_15 = vector.load %arg3[%get3A_12, %get3A_13, %get3A_14] : memref<2x2000x128xf32, #tpu.memory_space<vmem>>, vector<1x2000x1xf32>
    %get3A_16 = vector.shape_cast %get3A_15 : vector<1x2000x1xf32> to vector<2000x1xf32>
    %get3A_17 = arith.constant 1 : index
    %get3A_18 = arith.constant 0 : index
    %get3A_19 = arith.constant 0 : index
    %get3A_20 = vector.load %arg3[%get3A_17, %get3A_18, %get3A_19] : memref<2x2000x128xf32, #tpu.memory_space<vmem>>, vector<1x2000x1xf32>
    %get3A_21 = vector.shape_cast %get3A_20 : vector<1x2000x1xf32> to vector<2000x1xf32>
    %add3A_22 = arith.addf %get3A_16, %get3A_21 : vector<2000x1xf32>
    %max3A = arith.constant 1.000000e+00 : f32
    %max3A_23 = vector.broadcast %max3A : f32 to vector<2000x1xf32>
    %max3A_24 = arith.maximumf %add3A_22, %max3A_23 : vector<2000x1xf32>
    %div3A = vector.broadcast %max3A_24 : vector<2000x1xf32> to vector<2000x128xf32>
    %div3A_25 = arith.divf %add3A, %div3A : vector<2000x128xf32>
    %gt3A = arith.constant 0.000000e+00 : f32
    %gt3A_26 = vector.broadcast %gt3A : f32 to vector<2000x1xf32>
    %gt3A_27 = arith.cmpf ogt, %add3A_22, %gt3A_26 : vector<2000x1xf32>
    %convert_element_type3A = arith.extui %gt3A_27 : vector<2000x1xi1> to vector<2000x1xi32>
    %convert_element_type3A_28 = arith.sitofp %convert_element_type3A : vector<2000x1xi32> to vector<2000x1xf32>
    %get3A_29 = arith.constant 0 : index
    %get3A_30 = arith.constant 0 : index
    %get3A_31 = vector.load %arg4[%get3A_29, %get3A_30] : memref<128x128xf32, #tpu.memory_space<vmem>>, vector<128x128xf32>
    %dot_general3A = arith.constant dense<0.000000e+00> : vector<2000x128xf32>
    %dot_general3A_32 = tpu.matmul %div3A_25, %get3A_31, %dot_general3A {dimension_numbers = #tpu.dot_dimension_numbers<[1], [0], [0], [1], [0, 0, 1, 1], [], []>, transpose_lhs_hint = false} : vector<2000x128xf32>, vector<128x128xf32>, vector<2000x128xf32> -> vector<2000x128xf32>
    %get3A_33 = arith.constant 0 : index
    %get3A_34 = arith.constant 0 : index
    %get3A_35 = vector.load %arg5[%get3A_33, %get3A_34] : memref<1x128xf32, #tpu.memory_space<vmem>>, vector<1x128xf32>
    %mul3A = vector.broadcast %get3A_35 : vector<1x128xf32> to vector<2000x128xf32>
    %mul3A_36 = vector.broadcast %convert_element_type3A_28 : vector<2000x1xf32> to vector<2000x128xf32>
    %mul3A_37 = arith.mulf %mul3A, %mul3A_36 : vector<2000x128xf32>
    %add3A_38 = arith.addf %dot_general3A_32, %mul3A_37 : vector<2000x128xf32>
    %get3A_39 = arith.constant 0 : index
    %get3A_40 = arith.constant 0 : index
    %get3A_41 = vector.load %arg6[%get3A_39, %get3A_40] : memref<128x128xf32, #tpu.memory_space<vmem>>, vector<128x128xf32>
    %dot_general3A_42 = arith.constant dense<0.000000e+00> : vector<2000x128xf32>
    %dot_general3A_43 = tpu.matmul %get3A_1, %get3A_41, %dot_general3A_42 {dimension_numbers = #tpu.dot_dimension_numbers<[1], [0], [0], [1], [0, 0, 1, 1], [], []>, transpose_lhs_hint = false} : vector<2000x128xf32>, vector<128x128xf32>, vector<2000x128xf32> -> vector<2000x128xf32>
    %get3A_44 = arith.constant 0 : index
    %get3A_45 = arith.constant 0 : index
    %get3A_46 = vector.load %arg7[%get3A_44, %get3A_45] : memref<128x128xf32, #tpu.memory_space<vmem>>, vector<128x128xf32>
    %dot_general3A_47 = arith.constant dense<0.000000e+00> : vector<2000x128xf32>
    %dot_general3A_48 = tpu.matmul %add3A_38, %get3A_46, %dot_general3A_47 {dimension_numbers = #tpu.dot_dimension_numbers<[1], [0], [0], [1], [0, 0, 1, 1], [], []>, transpose_lhs_hint = false} : vector<2000x128xf32>, vector<128x128xf32>, vector<2000x128xf32> -> vector<2000x128xf32>
    %add3A_49 = arith.addf %dot_general3A_43, %dot_general3A_48 : vector<2000x128xf32>
    %get3A_50 = arith.constant 0 : index
    %get3A_51 = arith.constant 0 : index
    %get3A_52 = vector.load %arg8[%get3A_50, %get3A_51] : memref<1x128xf32, #tpu.memory_space<vmem>>, vector<1x128xf32>
    %add3A_53 = vector.broadcast %get3A_52 : vector<1x128xf32> to vector<2000x128xf32>
    %add3A_54 = arith.addf %add3A_49, %add3A_53 : vector<2000x128xf32>
    %max3A_55 = arith.constant 0.000000e+00 : f32
    %max3A_56 = vector.broadcast %max3A_55 : f32 to vector<2000x128xf32>
    %max3A_57 = arith.maximumf %add3A_54, %max3A_56 : vector<2000x128xf32>
    %get3A_58 = arith.constant 0 : index
    %get3A_59 = arith.constant 0 : index
    %get3A_60 = vector.load %arg9[%get3A_58, %get3A_59] : memref<128x128xf32, #tpu.memory_space<vmem>>, vector<128x128xf32>
    %dot_general3A_61 = arith.constant dense<0.000000e+00> : vector<2000x128xf32>
    %dot_general3A_62 = tpu.matmul %max3A_57, %get3A_60, %dot_general3A_61 {dimension_numbers = #tpu.dot_dimension_numbers<[1], [0], [0], [1], [0, 0, 1, 1], [], []>, transpose_lhs_hint = false} : vector<2000x128xf32>, vector<128x128xf32>, vector<2000x128xf32> -> vector<2000x128xf32>
    %get3A_63 = arith.constant 0 : index
    %get3A_64 = arith.constant 0 : index
    %get3A_65 = vector.load %arg10[%get3A_63, %get3A_64] : memref<1x128xf32, #tpu.memory_space<vmem>>, vector<1x128xf32>
    %add3A_66 = vector.broadcast %get3A_65 : vector<1x128xf32> to vector<2000x128xf32>
    %add3A_67 = arith.addf %dot_general3A_62, %add3A_66 : vector<2000x128xf32>
    %get3A_68 = arith.constant 0 : index
    %get3A_69 = arith.constant 0 : index
    %get3A_70 = vector.load %arg11[%get3A_68, %get3A_69] : memref<128x128xf32, #tpu.memory_space<vmem>>, vector<128x128xf32>
    %dot_general3A_71 = arith.constant dense<0.000000e+00> : vector<2000x128xf32>
    %dot_general3A_72 = tpu.matmul %add3A_67, %get3A_70, %dot_general3A_71 {dimension_numbers = #tpu.dot_dimension_numbers<[1], [0], [0], [1], [0, 0, 1, 1], [], []>, transpose_lhs_hint = false} : vector<2000x128xf32>, vector<128x128xf32>, vector<2000x128xf32> -> vector<2000x128xf32>
    %get3A_73 = arith.constant 0 : index
    %get3A_74 = arith.constant 0 : index
    %get3A_75 = vector.load %arg12[%get3A_73, %get3A_74] : memref<128x128xf32, #tpu.memory_space<vmem>>, vector<128x128xf32>
    %dot_general3A_76 = arith.constant dense<0.000000e+00> : vector<2000x128xf32>
    %dot_general3A_77 = tpu.matmul %get3A_1, %get3A_75, %dot_general3A_76 {dimension_numbers = #tpu.dot_dimension_numbers<[1], [0], [0], [1], [0, 0, 1, 1], [], []>, transpose_lhs_hint = false} : vector<2000x128xf32>, vector<128x128xf32>, vector<2000x128xf32> -> vector<2000x128xf32>
    %add3A_78 = arith.addf %dot_general3A_72, %dot_general3A_77 : vector<2000x128xf32>
    %get3A_79 = arith.constant 0 : index
    %get3A_80 = arith.constant 0 : index
    %get3A_81 = vector.load %arg13[%get3A_79, %get3A_80] : memref<1x128xf32, #tpu.memory_space<vmem>>, vector<1x128xf32>
    %add3A_82 = vector.broadcast %get3A_81 : vector<1x128xf32> to vector<2000x128xf32>
    %add3A_83 = arith.addf %add3A_78, %add3A_82 : vector<2000x128xf32>
    %swap3A = arith.constant 0 : index
    %swap3A_84 = arith.constant 0 : index
    %swap3A_85 = vector.load %arg14[%swap3A, %swap3A_84] : memref<2000x128xf32, #tpu.memory_space<vmem>>, vector<2000x128xf32>
    tpu.vector_store %arg14[%swap3A, %swap3A_84], %add3A_83 {strides = array<i32>} : memref<2000x128xf32, #tpu.memory_space<vmem>>, vector<2000x128xf32>,
    return
  }
  func.func @transform_0(%arg0: i32) -> (i32, i32) {
    %c0_i32 = arith.constant 0 : i32
    %c0_i32_0 = arith.constant 0 : i32
    return %arg0, %c0_i32 : i32, i32
  }
  func.func @transform_1(%arg0: i32) -> (i32, i32, i32) {
    %c0_i32 = arith.constant 0 : i32
    %c0_i32_0 = arith.constant 0 : i32
    %c0_i32_1 = arith.constant 0 : i32
    return %c0_i32, %arg0, %c0_i32_0 : i32, i32, i32
  }
  func.func @transform_2(%arg0: i32) -> (i32, i32, i32) {
    %c0_i32 = arith.constant 0 : i32
    %c0_i32_0 = arith.constant 0 : i32
    %c0_i32_1 = arith.constant 0 : i32
    return %c0_i32, %arg0, %c0_i32_0 : i32, i32, i32
  }
  func.func @transform_3(%arg0: i32) -> (i32, i32) {
    %c0_i32 = arith.constant 0 : i32
    %c0_i32_0 = arith.constant 0 : i32
    %c0_i32_1 = arith.constant 0 : i32
    return %c0_i32, %c0_i32_0 : i32, i32
  }
  func.func @transform_4(%arg0: i32) -> (i32, i32) {
    %c0_i32 = arith.constant 0 : i32
    %c0_i32_0 = arith.constant 0 : i32
    %c0_i32_1 = arith.constant 0 : i32
    return %c0_i32, %c0_i32_0 : i32, i32
  }
  func.func @transform_5(%arg0: i32) -> (i32, i32) {
    %c0_i32 = arith.constant 0 : i32
    %c0_i32_0 = arith.constant 0 : i32
    %c0_i32_1 = arith.constant 0 : i32
    return %c0_i32, %c0_i32_0 : i32, i32
  }
  func.func @transform_6(%arg0: i32) -> (i32, i32) {
    %c0_i32 = arith.constant 0 : i32
    %c0_i32_0 = arith.constant 0 : i32
    %c0_i32_1 = arith.constant 0 : i32
    return %c0_i32, %c0_i32_0 : i32, i32
  }
  func.func @transform_7(%arg0: i32) -> (i32, i32) {
    %c0_i32 = arith.constant 0 : i32
    %c0_i32_0 = arith.constant 0 : i32
    %c0_i32_1 = arith.constant 0 : i32
    return %c0_i32, %c0_i32_0 : i32, i32
  }
  func.func @transform_8(%arg0: i32) -> (i32, i32) {
    %c0_i32 = arith.constant 0 : i32
    %c0_i32_0 = arith.constant 0 : i32
    %c0_i32_1 = arith.constant 0 : i32
    return %c0_i32, %c0_i32_0 : i32, i32
  }
  func.func @transform_9(%arg0: i32) -> (i32, i32) {
    %c0_i32 = arith.constant 0 : i32
    %c0_i32_0 = arith.constant 0 : i32
    %c0_i32_1 = arith.constant 0 : i32
    return %c0_i32, %c0_i32_0 : i32, i32
  }
  func.func @transform_10(%arg0: i32) -> (i32, i32) {
    %c0_i32 = arith.constant 0 : i32
    %c0_i32_0 = arith.constant 0 : i32
    %c0_i32_1 = arith.constant 0 : i32
    return %c0_i32, %c0_i32_0 : i32, i32
  }
  func.func @transform_11(%arg0: i32) -> (i32, i32) {
    %c0_i32 = arith.constant 0 : i32
    %c0_i32_0 = arith.constant 0 : i32
    %c0_i32_1 = arith.constant 0 : i32
    return %c0_i32, %c0_i32_0 : i32, i32
  }
  func.func @transform_12(%arg0: i32) -> (i32, i32) {
    %c0_i32 = arith.constant 0 : i32
    %c0_i32_0 = arith.constant 0 : i32
    %c0_i32_1 = arith.constant 0 : i32
    return %c0_i32, %c0_i32_0 : i32, i32
  }
  func.func @transform_13(%arg0: i32) -> (i32, i32) {
    %c0_i32 = arith.constant 0 : i32
    %c0_i32_0 = arith.constant 0 : i32
    return %arg0, %c0_i32 : i32, i32
  }
}

</mosaic_0001>

<sc_bundles>
// kernel: kernel.5.cloned.1.call-start
scs
__scs_entry_jumppad:
0x0: {  	(pc) =	sbr.rel $0x88, $3  }
0x1: {  	(tag) =	ssettag $0x0;
	lr =	simm.s32 $0x1  }
0x2: {  	[smem:$0x3F94] =	sst lr;
	_ =	strace $0xD0000000  }
0x3: {  	_ = 	snop  }
0x4: {  	_ = 	snop  }
0x5: {  	_ = 	snop  }
0x6: {  	_ = 	snop  }
0x7: {  	_ = 	snop  }
__scs_overlays_trampoline_lowered:
0x8: {  	[smem:$0x3FA3] =	sst s0  }
0x9: {  	[smem:$0x3FA4] =	sst s1  }
0xa: {  	[smem:$0x3FA5] =	sst s2  }
0xb: {  	[smem:$0x3FA6] =	sst s3  }
0xc: {  	[smem:$0x3FA7] =	sst s4  }
0xd: {  	[smem:$0x3FA8] =	sst s5  }
0xe: {  	[smem:$0x3FA9] =	sst s6  }
0xf: {  	[smem:$0x3FAA] =	sst s7  }
0x10: {  	[smem:$0x3FAB] =	sst s8  }
0x11: {  	[smem:$0x3FAC] =	sst s9;
	s0 =	simm.s32 @!p0 $0x0  }
0x12: {  	s1 =	sld [smem:$0x3F92];
	s0 =	simm.s32 @p0 $0x1  }
0x13: {  	[smem:$0x3FAD] =	sst s0;
	s0 =	simm.s32 @!p1 $0x0  }
0x14: {  	s2 =	sld [smem:$0x3F91];
	s0 =	simm.s32 @p1 $0x1  }
0x15: {  	[smem:$0x3FAE] =	sst s0;
	s0 =	simm.s32 @!p2 $0x0  }
0x16: {  	s3 =	sld [smem:$0x3FDB];
	s0 =	simm.s32 @p2 $0x1  }
0x17: {  	s4 =	simm.s32 $0x1BF5;
	[smem:$0x3FB0] =	sst s0  }
0x18: {  	s0 =	sld [smem:$0x3F93];
	_ =	swait.ge [sflag:s4], $0x0  }
0x19: {  	s7 =	sld [smem:$0x3F94]  }
0x1a: {  	s8 =	sadd.s32 $0xFFFFE003, lr  }
0x1b: {  	s9 =	sadd.s32 $0xFFFFFEF7, lr;
	s5 =	simm.s32 $0xFFFFFFFF;
	p2 =	slt.u32 s8, $0xFFFFF086  }
0x1c: {  	p1 =	slt.u32 s9, $0xF7A;
	s5 =	simm.s32 @!p2 $0x0  }
0x1d: {  	s5 =	simm.s32 @p1 $0x1;
	p0 =	seq.s32 s7, s2  }
0x1e: {  	s7 =	smul.u32 @!p0 $0xF7A, s2;
	p2 =	seq.s32 @!p0 s5, $0x0  }
0x1f: {  	s9 =	smul.u32 $0xF7A, s1;
	s8 =	simm.s32 @!p0 $0x1BF5;
	p2 =	por !p2, p0  }
0x20: {  	[sflag:s8] =	ssyncset.s32 @!p0 $0xFFFFF086;
	s6 =	sadd.s32 @!p0 s3, s7;
	s7 =	simm.s32 @!p0 $0x108  }
0x21: {  	s3 =	sadd.s32 s3, s9;
	s6 =	sadd.s32 @!p0 $0x88, s6;
	s7 =	simm.s32 @p2 $0x1082  }
0x22: {  	[simem:s7], [sflag:s8] =	dma.local @!p0 [hbm:s6], $0xF7A  }
0x23: {  	s9 =	sor.u32 $0xD0000000, s2;
	s6 =	simm.s32 $0x108;
	_ =	swait.ge @!p0 [sflag:s8], $0x0  }
0x24: {  	s3 =	sadd.s32 $0x88, s3;
	s6 =	simm.s32 @!p1 $0x1082;
	[sflag:s4] =	ssyncset.s32 $0xFFFFF086  }
0x25: {  	[simem:s6], [sflag:s4] =	dma.local [hbm:s3], $0xF7A  }
0x26: {  	[smem:$0x3F94] =	sst s1;
	(tag) =	ssettag s2;
	_ =	strace s9  }
0x27: {  	s1 =	sld [smem:$0x3FA4]  }
0x28: {  	s2 =	sld [smem:$0x3FA5]  }
0x29: {  	s4 =	sld [smem:$0x3FA7]  }
0x2a: {  	p0 =	seq.s32 s5, $0x0;
	s5 =	sld [smem:$0x3FA8]  }
0x2b: {  	s6 =	sld [smem:$0x3FA9]  }
0x2c: {  	s7 =	sld [smem:$0x3FAA]  }
0x2d: {  	s3 =	simm.s32 $0x108;
	s8 =	sld [smem:$0x3FAB]  }
0x2e: {  	s3 =	simm.s32 @!p0 $0x1082;
	s9 =	sld [smem:$0x3FAC]  }
0x2f: {  	lr =	sadd.s32 s0, s3;
	s0 =	sld [smem:$0x3FA3]  }
0x30: {  	s3 =	sld [smem:$0x3FA6]  }
0x31: {  	[smem:$0x3FAF] =	sst s10  }
0x32: {  	s10 =	sld [smem:$0x3FAD];
	_ =	sdelay $0x3  }
0x33: {  	p0 =	seq.s32 s10, $0x1;
	s10 =	sld [smem:$0x3FAF];
	_ =	sdelay $0x3  }
0x34: {  	[smem:$0x3FAF] =	sst s10  }
0x35: {  	s10 =	sld [smem:$0x3FAE];
	_ =	sdelay $0x3  }
0x36: {  	p1 =	seq.s32 s10, $0x1;
	s10 =	sld [smem:$0x3FAF];
	_ =	sdelay $0x3  }
0x37: {  	[smem:$0x3FAF] =	sst s10  }
0x38: {  	s10 =	sld [smem:$0x3FB0]  }
0x39: {  	_ = 	snop;
	(pc) =	sbr.ind lr, $3  }
0x3a: {  	_ = 	snop  }
0x3b: {  	_ = 	snop  }
0x3c: {  	p2 =	seq.s32 s10, $0x1;
	s10 =	sld [smem:$0x3FAF]  }
0x3d: {  	_ =	shalt  }
0x3e: {  	_ =	shalt  }
0x3f: {  	_ =	shalt  }
0x40: {  	_ =	shalt  }
0x41: {  	_ =	shalt  }
0x42: {  	_ =	shalt  }
0x43: {  	_ =	shalt  }
0x44: {  	_ =	shalt  }
0x45: {  	_ =	shalt  }
0x46: {  	_ =	shalt  }
0x47: {  	_ =	shalt  }
0x48: {  	_ =	shalt  }
0x49: {  	_ =	shalt  }
0x4a: {  	_ =	shalt  }
0x4b: {  	_ =	shalt  }
0x4c: {  	_ =	shalt  }
0x4d: {  	_ =	shalt  }
0x4e: {  	_ =	shalt  }
0x4f: {  	_ =	shalt  }
0x50: {  	_ =	shalt  }
0x51: {  	_ =	shalt  }
0x52: {  	_ =	shalt  }
0x53: {  	_ =	shalt  }
0x54: {  	_ =	shalt  }
0x55: {  	_ =	shalt  }
0x56: {  	_ =	shalt  }
0x57: {  	_ =	shalt  }
0x58: {  	_ =	shalt  }
0x59: {  	_ =	shalt  }
0x5a: {  	_ =	shalt  }
0x5b: {  	_ =	shalt  }
0x5c: {  	_ =	shalt  }
0x5d: {  	_ =	shalt  }
0x5e: {  	_ =	shalt  }
0x5f: {  	_ =	shalt  }
0x60: {  	_ =	shalt  }
0x61: {  	_ =	shalt  }
0x62: {  	_ =	shalt  }
0x63: {  	_ =	shalt  }
0x64: {  	_ =	shalt  }
0x65: {  	_ =	shalt  }
0x66: {  	_ =	shalt  }
0x67: {  	_ =	shalt  }
0x68: {  	_ =	shalt  }
0x69: {  	_ =	shalt  }
0x6a: {  	_ =	shalt  }
0x6b: {  	_ =	shalt  }
0x6c: {  	_ =	shalt  }
0x6d: {  	_ =	shalt  }
0x6e: {  	_ =	shalt  }
0x6f: {  	_ =	shalt  }
0x70: {  	_ =	shalt  }
0x71: {  	_ =	shalt  }
0x72: {  	_ =	shalt  }
0x73: {  	_ =	shalt  }
0x74: {  	_ =	shalt  }
0x75: {  	_ =	shalt  }
0x76: {  	_ =	shalt  }
0x77: {  	_ =	shalt  }
0x78: {  	_ =	shalt  }
0x79: {  	_ =	shalt  }
0x7a: {  	_ =	shalt  }
0x7b: {  	_ =	shalt  }
0x7c: {  	_ =	shalt  }
0x7d: {  	_ =	shalt  }
0x7e: {  	_ =	shalt  }
0x7f: {  	_ =	shalt  }
0x80: {  	_ =	shalt  }
0x81: {  	_ =	shalt  }
0x82: {  	_ =	shalt  }
0x83: {  	_ =	shalt  }
0x84: {  	_ =	shalt  }
0x85: {  	_ =	shalt  }
0x86: {  	_ =	shalt  }
0x87: {  	_ =	shalt  }
.Lfunc_end0:
.L_simem_size_0:
called_computation_lowered:
.L_overlay_start_0:
0x88: {  	s2 =	sld [smem:$0x3FD9]  }
0x89: {  	s3 =	sld [smem:$0x3FFE];
	_ =	sdelay $0x1  }
0x8a: {  	s1 =	srdreg.scid  }
0x8b: {  	s0 =	sand.u32 $0x1, s1  }
0x8c: {  	s17 =	sshll.u32 s0, $0xA;
	s2 =	sadd.s32 s3, s2  }
0x8d: {  	s2 =	sadd.s32 s2, s17  }
0x8e: {  	[smem:$0x3FBB] =	sst s2  }
0x8f: {  	_ = 	snop  }
0x90: {  	s2 =	sld [smem:$0x3FD0];
	(tm) =	ssettm $0x1  }
0x91: {  	s18 =	sld [smem:$0x3FFB];
	_ =	sdelay $0x3  }
0x92: {  	_ =	strace s18  }
0x93: {  	s3 =	sld [smem:$0x3FFC];
	_ =	sdelay $0x3  }
0x94: {  	_ =	strace s3  }
0x95: {  	s3 =	sld [smem:$0x3FFD];
	_ =	sdelay $0x3  }
0x96: {  	_ =	strace s3  }
0x97: {  	_ =	strace $0x8FFFFFFF  }
0x98: {  	s19 =	sld [smem:$0x3FDB];
	_ =	sdelay $0x1  }
0x99: {  	s4 =	simm.s32 $_scs_section_size  }
0x9a: {  	s5 =	simm.s32 $_size__tile_overlayer_lowered;
	s6 =	simm.s32 $_tile_overlayer_lowered  }
0x9b: {  	s22 =	simm.s32 $0x1BFF;
	s21 =	sshll.u32 s6, $0x1;
	s3 =	sadd.s32 s4, s19  }
0x9c: {  	s7 =	simm.s32 $0x0;
	s20 =	sshll.u32 s5, $0x1;
	s5 =	sadd.s32 s21, s3  }
0x9d: {  	[timem:s7], [sflag:s22] =	dma.local [hbm:s5], s20  }
0x9e: {  	_ =	swait.ge [sflag:s22], s20  }
0x9f: {  	s4 =	ssub.s32 $0x0, s20;
	[sflag:s22] =	ssyncset.done $0x0  }
0xa0: {  	[sflag:s22] =	ssyncadd.s32 s4;
	_ =	sdelay $0x1  }
0xa1: {  	s23 =	simm.s32 $0x1B8B  }
0xa2: {  	_ =	swait.ge [sflag:s23], $0x1  }
0xa3: {  	[sflag:s23] =	ssyncset.done $0x0  }
0xa4: {  	s25 =	simm.s32 $0x1B8E;
	s24 =	sld [smem:$0x3FFE];
	[sflag:s23] =	ssyncadd.s32 $0xFFFFFFFF  }
0xa5: {  	s26 =	simm.s32 $execute0_lowered;
	[smem:$0x3FD2] =	sst s25  }
0xa6: {  	s5 =	sshll.u32 s26, $0x1;
	_ =	strace $0x80000046;
	[dreg:$0x1] =	wrdreg $0xFFFFFFFF  }
0xa7: {  	s28 =	simm.s32 $_size_execute0_lowered;
	s3 =	sadd.s32 s3, s5;
	[dreg:$0x0] =	wrdreg $0x0  }
0xa8: {  	s5 =	sshll.u32 s28, $0x1;
	[dreg:$0x2] =	wrdreg s3  }
0xa9: {  	[dreg:$0x3] =	wrdreg s5  }
0xaa: {  	[dreg:$0x4] =	wrdreg $0xC0  }
0xab: {  	_ =	task [dreg:s7], $0x5FFFF  }
0xac: {  	[dreg:$0x1] =	wrdreg $0xFFFFFFFF  }
0xad: {  	[dreg:$0x0] =	wrdreg $0x60  }
0xae: {  	[dreg:$0x2] =	wrdreg s2  }
0xaf: {  	[dreg:$0x3] =	wrdreg s24  }
0xb0: {  	[dreg:$0x4] =	wrdreg $0xA2000  }
0xb1: {  	[dreg:$0x5] =	wrdreg $0x9  }
0xb2: {  	_ =	task.clear_ibuf [dreg:s7], $0x6FFFF;
	_ =	strace $0x90000046  }
0xb3: {  	s29 =	simm.s32 $0x9;
	_ =	strace $0x80000048  }
0xb4: {  	_ =	swait.ge [sflag:s29], $0x1  }
0xb5: {  	[sflag:s29] =	ssyncadd.s32 $0xFFFFFFFF  }
0xb6: {  	_ =	strace $0x90000048  }
0xb7: {  	_ =	sfence  }
0xb8: {  	s30 =	sld [smem:$0x0];
	_ =	sdelay $0x2  }
0xb9: {  	s31 =	sshll.u32 s1, $0xD;
	s1 =	sshrl.u32 s1, $0x2  }
0xba: {  	s3 =	sand.u32 $0x4000, s31;
	s1 =	sadd.s32 s1, s30  }
0xbb: {  	s0 =	sor.u32 s3, s0;
	s1 =	sshll.u32 s1, $0x11  }
0xbc: {  	s0 =	sor.u32 s1, s0  }
0xbd: {  	s0 =	sadd.s32 $0x8F2B, s0  }
0xbe: {  	[sflag:s0] =	ssyncadd.remote.s32 $0x1  }
0xbf: {  	_ =	sfence.sel $0xFFFF  }
0xc0: {  	[dreg:$0x0] =	wrdreg $0xFFFFFFFF;
	(pc) =	sbr.abs _section_cstart, $3  }
0xc1: {  	[dreg:$0x1] =	wrdreg $0xFFFFFFFF  }
0xc2: {  	_ =	task.clear_ibuf [dreg:s7], $0x2FFFF;
	_ =	strace $0x9FFFFFFF  }
0xc3: {  	(tm) =	ssettm $0x7FFFFFFF  }
tec
execute0_lowered:
.L_overlay_start_1:
0x0: {  	(tag) =	ssettag $0x1  }
0x1: {  	s1 =	rddreg [dreg:$0x0]  }
0x2: {  	s0 =	rddreg [dreg:$0x1]  }
0x3: {  	s2 =	rddreg [dreg:$0x2];
	s3 =	simm.s32 $0x0  }
0x4: {  	s4 =	srdreg.scid;
	s8 =	stileid.u32;
	s29 =	simm.s32 $0x100  }
0x5: {  	s30 =	simm.s32 $0x5200;
	s31 =	simm.s32 $0x1;
	[smem:$0x7FF] =	sst s3  }
0x6: {  	s5 =	sadd.s32 $0x4F7A00, s0;
	s6 =	sadd.s32 $0x4EDC00, s0;
	s4 =	sand.u32 $0x1, s4  }
0x7: {  	s7 =	sadd.s32 $0x4E3E00, s0;
	s20 =	sadd.s32 $0x1E00, s0;
	s10 =	smul.u32 $0x4E000, s8  }
0x8: {  	s11 =	sadd.s32 $0x4600, s0;
	s0 =	sadd.s32 $0x52800, s0;
	s24 =	sshll.u32 s8, $0x6  }
0x9: {  	s17 =	sadd.s32 $0x138000, s2;
	s25 =	smul.u32 $0x13800, s8;
	_ =	strace $0x80000047  }
0xa: {  	s9 =	sshll.u32 s4, $0x4;
	s12 =	ssub.s32 $0x2, s4;
	s16 =	smul.u32 $0x138800, s4  }
0xb: {  	[dreg:$0x6] =	wrdreg s17;
	s4 =	smul.u32 $0xA0, s4;
	s9 =	sor.u32 s8, s9  }
0xc: {  	p0 =	sne.s32 s8, $0xF;
	[dreg:$0x4] =	wrdreg s20;
	s13 =	smul.u32 $0xA, s9  }
0xd: {  	s14 =	sshrl.u32 s12, $0x1;
	s10 =	sshrl.u32 s10, $0x2;
	s15 =	smul.u32 $0x500, s9  }
0xe: {  	s12 =	ssub.s32 s12, s14;
	s23 =	smul.u32 $0x50, s9;
	s26 =	sadd.s32 s10, s2  }
0xf: {  	s10 =	sor.u32 $0x1C07, s24;
	s22 =	sadd.s32 s25, s16;
	s4 =	sadd.s32 s4, s7  }
0x10: {  	s14 =	sshrl.u32 s22, $0x3;
	[dreg:$0x5] =	wrdreg s26;
	s18 =	sadd.s32 s6, s13  }
0x11: {  	s28 =	sadd.s32 s7, s13;
	s19 =	sadd.s32 s5, s15;
	s21 =	sadd.s32 $0xA00, s23  }
0x12: {  	s23 =	sshrl.u32 s16, $0x3;
	s25 =	sadd.s32 s11, s14;
	[dreg:$0x7] =	wrdreg s18  }
0x13: {  	s14 =	sadd.s32 s0, s14;
	s13 =	simm.s32 $0x7;
	[dreg:$0x9] =	wrdreg s19  }
0x14: {  	s16 =	simm.s32 $0x2;
	s24 =	sshrl.u32 s21, $0x3;
	[dreg:$0xa] =	wrdreg s25  }
0x15: {  	s15 =	sadd.s32 $0x27000, s23;
	[dreg:$0xc] =	wrdreg s14;
	s18 =	sshll.u32 s21, $0x4  }
0x16: {  	s23 =	sor.u32 $0x40, s9;
	s21 =	smax.u32 s12, $0x1;
	[dreg:$0x8] =	wrdreg s28  }
0x17: {  	s25 =	sadd.s32 $0x9B00, s28;
	s12 =	simm.s32 $0x180;
	[dreg:$0x11] =	wrdreg s21  }
0x18: {  	s14 =	simm.s32 $0x7A00;
	s11 =	sadd.s32 s11, s15;
	[dreg:$0x12] =	wrdreg s25  }
0x19: {  	s0 =	sadd.s32 s0, s15;
	s15 =	smul.u32 $0xA, s8;
	[dreg:$0xb] =	wrdreg s11  }
0x1a: {  	s17 =	sadd.s32 s6, s24;
	s19 =	sadd.s32 s7, s24;
	[dreg:$0xd] =	wrdreg s0  }
0x1b: {  	s24 =	sor.u32 $0x60, s9;
	s21 =	simm.s32 $0x6;
	[dreg:$0xe] =	wrdreg s17  }
0x1c: {  	s25 =	simm.s32 $0x0;
	[dreg:$0xf] =	wrdreg s19;
	s11 =	sadd.s32 s5, s18  }
0x1d: {  	s0 =	simm.s32 $0x50;
	s17 =	simm.s32 $0x2A00;
	s18 =	simm.s32 $0x5  }
0x1e: {  	s19 =	simm.s32 $0x4;
	[dreg:$0x10] =	wrdreg s11;
	s22 =	sadd.s32 s15, s4  }
0x1f: {  	v0 =	vimm.f32 $1.000000000e+00;
	s4 =	simm.s32 $0x200;
	s11 =	simm.s32 $0x80;
	s15 =	simm.s32 $0x3  }
.LBB2_1:
0x20: {  	s8 =	sshrl.u32 s26, $0x3  }
0x21: {  	[dreg:$0x13] =	wrdreg s8  }
0x22: {  	[spmem:s8], [sflag:s10] =	dma.local [hbm:s20], $0x2700  }
0x23: {  	_ =	swait.ge [sflag:s13], $0x2700  }
0x24: {  	s8 =	rddreg [dreg:$0x6]  }
0x25: {  	[sflag:s13] =	ssyncset.done $0x0;
	s8 =	sshrl.u32 @!p0 s8, $0x3  }
0x26: {  	s9 =	simm.s32 @!p0 $0x7;
	[sflag:s13] =	ssyncadd.s32 $0xFFFFD900;
	[dreg:$0x14] =	wrdreg s8  }
0x27: {  	[spmem:s8], [sflag:s10] =	dma.local @!p0 [hbm:s20], $0x100  }
0x28: {  	_ =	swait.ge @!p0 [sflag:s9], $0x100  }
0x29: {  	[sflag:s9] =	ssyncset.done @!p0 $0x0  }
0x2a: {  	[sflag:s9] =	ssyncadd.s32 @!p0 $0xFFFFFF00  }
0x2b: {  	[bflag:$0x0] =	sbarrier.arrive $0xFFFF  }
0x2c: {  	s9 =	rddreg [dreg:$0x7]  }
0x2d: {  	[tilespmem:s3], [sflag:$0x1] =	stream.linear.gather [hbm4b:s9+s3], $0x50, $0x38;
	[tilespmem:$0x1DA80] =	vst v63  }
0x2e: {  	_ = 	snop  }
0x2f: {  	[tilespmem:s29], [sflag:$0x1] =	stream.linear.gather [hbm4b:s28+s3], $0x50, $0x38;
	[tilespmem:$0x1DA80] =	vst v63  }
0x30: {  	s13 =	rddreg [dreg:$0x9]  }
0x31: {  	[tilespmem:s30], [sflag:$0x1] =	stream.linear.gather [hbm4b:s13+s3], $0x2800, $0x38;
	[tilespmem:$0x1DA80] =	vst v63  }
0x32: {  	_ =	swait.ge [sflag:s31], $0x50  }
0x33: {  	[sflag:s31] =	ssyncset.done $0x0  }
0x34: {  	[sflag:s31] =	ssyncadd.s32 $0xFFFFFFB0  }
0x35: {  	_ =	swait.ge [sflag:s31], $0x50  }
0x36: {  	[sflag:s31] =	ssyncset.done $0x0  }
0x37: {  	[sflag:s31] =	ssyncadd.s32 $0xFFFFFFB0  }
0x38: {  	_ =	swait.ge [sflag:s31], $0x2800  }
0x39: {  	[sflag:s31] =	ssyncset.done $0x0  }
0x3a: {  	[sflag:s31] =	ssyncadd.s32 $0xFFFFD800  }
0x3b: {  	[tilespmem:s4], [sflag:$0x3] =	stream.indirect.gather [hbm4b:s1+s0], $0x80, s3, s0, $0xb8;
	[tilespmem:$0x1DA80] =	vst v63  }
0x3c: {  	s20 =	rddreg [dreg:$0xe]  }
0x3d: {  	[tilespmem:s11], [sflag:$0x2] =	stream.linear.gather [hbm4b:s20+s3], $0x50, $0x38;
	[tilespmem:$0x1DA80] =	vst v63  }
0x3e: {  	s26 =	rddreg [dreg:$0xf]  }
0x3f: {  	[tilespmem:s12], [sflag:$0x2] =	stream.linear.gather [hbm4b:s26+s3], $0x50, $0x38;
	[tilespmem:$0x1DA80] =	vst v63  }
0x40: {  	s28 =	rddreg [dreg:$0x10]  }
0x41: {  	[tilespmem:s14], [sflag:$0x2] =	stream.linear.gather [hbm4b:s28+s3], $0x2800, $0x38;
	[tilespmem:$0x1DA80] =	vst v63  }
0x42: {  	_ =	swait.ge [sflag:s15], $0x2800  }
0x43: {  	[sflag:s15] =	ssyncset.done $0x0  }
0x44: {  	s9 =	simm.s32 $0x0;
	[sflag:s15] =	ssyncadd.s32 $0xFFFFD800  }
0x45: {  	v7 =	vld [tilespmem:s9+$0x5200]  }
0x46: {  	v12 =	vld [tilespmem:s9+$0x5210]  }
0x47: {  	v6 =	vld [tilespmem:s9+$0x5220]  }
0x48: {  	v5 =	vld [tilespmem:s9+$0x5230]  }
0x49: {  	v4 =	vld [tilespmem:s9+$0x5240]  }
0x4a: {  	v3 =	vld [tilespmem:s9+$0x5250]  }
0x4b: {  	v2 =	vld [tilespmem:s9+$0x5260]  }
0x4c: {  	v1 =	vld [tilespmem:s9+$0x5270]  }
0x4d: {  	v13 =	vld [tilespmem:s9+$0x200]  }
0x4e: {  	v14 =	vld [tilespmem:s9+$0x210]  }
0x4f: {  	v11 =	vld [tilespmem:s9+$0x220]  }
0x50: {  	v10 =	vld [tilespmem:s9+$0x230]  }
0x51: {  	v9 =	vld [tilespmem:s9+$0x240]  }
0x52: {  	v8 =	vld [tilespmem:s9+$0x250];
	v13 =	vadd.f32 v7, v13  }
0x53: {  	s13 =	simm.s32 $0x200;
	v12 =	vadd.f32 v12, v14;
	v7 =	vld [tilespmem:s9+$0x260]  }
.LBB2_2:
0x54: {  	s26 =	sshra.s32 s13, $0x2;
	p1 =	sne.s32 s13, $0x9E00;
	v13 =	vmax.f32 v13, $0.0e+00;
	v6 =	vadd.f32 v6, v11;
	v11 =	vld [tilespmem:s9+$0x270]  }
0x55: {  	v14 =	vld [tilespmem:s26+$0x5200];
	[tilespmem:s9+$0x200] =	vst v13;
	v12 =	vmax.f32 v12, $0.0e+00;
	v5 =	vadd.f32 v5, v10  }
0x56: {  	v15 =	vld [tilespmem:s26+$0x5210];
	[tilespmem:s9+$0x210] =	vst v12;
	v10 =	vmax.f32 v6, $0.0e+00;
	v4 =	vadd.f32 v4, v9  }
0x57: {  	v6 =	vld [tilespmem:s26+$0x5220];
	[tilespmem:s9+$0x220] =	vst v10;
	v9 =	vmax.f32 v5, $0.0e+00;
	v3 =	vadd.f32 v3, v8  }
0x58: {  	v5 =	vld [tilespmem:s26+$0x5230];
	[tilespmem:s9+$0x230] =	vst v9;
	v8 =	vmax.f32 v4, $0.0e+00;
	v2 =	vadd.f32 v2, v7  }
0x59: {  	v4 =	vld [tilespmem:s26+$0x5240];
	[tilespmem:s9+$0x240] =	vst v8;
	v7 =	vmax.f32 v3, $0.0e+00;
	v1 =	vadd.f32 v1, v11  }
0x5a: {  	v3 =	vld [tilespmem:s26+$0x5250];
	[tilespmem:s9+$0x250] =	vst v7;
	v7 =	vmax.f32 v2, $0.0e+00  }
0x5b: {  	v2 =	vld [tilespmem:s26+$0x5260];
	[tilespmem:s9+$0x260] =	vst v7;
	v7 =	vmax.f32 v1, $0.0e+00  }
0x5c: {  	v1 =	vld [tilespmem:s26+$0x5270];
	[tilespmem:s9+$0x270] =	vst v7;
	s9 =	smov.u32 s26  }
0x5d: {  	v7 =	vld [tilespmem:s9+$0x200]  }
0x5e: {  	v12 =	vld [tilespmem:s9+$0x210]  }
.Ltmp0:
0x5f: {  	v11 =	vld [tilespmem:s9+$0x220];
	(pc) =	sbr.rel @p1 .LBB2_2-.Ltmp0, $4  }
0x60: {  	v10 =	vld [tilespmem:s9+$0x230]  }
0x61: {  	v9 =	vld [tilespmem:s9+$0x240]  }
0x62: {  	v13 =	vadd.f32 v14, v7;
	v8 =	vld [tilespmem:s9+$0x250]  }
0x63: {  	s13 =	sadd.s32 $0x200, s13;
	v12 =	vadd.f32 v15, v12;
	v7 =	vld [tilespmem:s9+$0x260]  }
0x64: {  	v13 =	vmax.f32 v13, $0.0e+00;
	v6 =	vadd.f32 v6, v11;
	v63 =	vld [tilespmem:s9+$0x270]  }
0x65: {  	[tilespmem:s9+$0x200] =	vst v13;
	v12 =	vmax.f32 v12, $0.0e+00;
	v5 =	vadd.f32 v5, v10  }
0x66: {  	[tilespmem:s9+$0x210] =	vst v12;
	v6 =	vmax.f32 v6, $0.0e+00;
	v4 =	vadd.f32 v4, v9  }
0x67: {  	[tilespmem:s9+$0x220] =	vst v6;
	v5 =	vmax.f32 v5, $0.0e+00;
	v3 =	vadd.f32 v3, v8  }
0x68: {  	[tilespmem:s9+$0x230] =	vst v5;
	v4 =	vmax.f32 v4, $0.0e+00;
	v2 =	vadd.f32 v2, v7  }
0x69: {  	[tilespmem:s9+$0x240] =	vst v4;
	v3 =	vmax.f32 v3, $0.0e+00;
	v1 =	vadd.f32 v1, v63  }
0x6a: {  	[tilespmem:s9+$0x250] =	vst v3;
	v2 =	vmax.f32 v2, $0.0e+00  }
0x6b: {  	[tilespmem:s9+$0x260] =	vst v2;
	v1 =	vmax.f32 v1, $0.0e+00  }
0x6c: {  	s26 =	simm.s32 $0x0;
	[tilespmem:s9+$0x270] =	vst v1;
	s9 =	simm.s32 $0x0  }
0x6d: {  	[spmem:s2] =	stream.indirect.scatter.add.f32 [tilespmem:s4], [sflag:$0x5], $0x80, s29, s0, $0xb8;
	[tilespmem:$0x1DA80] =	vst v63  }
.LBB2_4:
0x6e: {  	_ =	swait.ge [sflag:s16], $0x50  }
0x6f: {  	[sflag:s16] =	ssyncset.done $0x0  }
0x70: {  	[sflag:s16] =	ssyncadd.s32 $0xFFFFFFB0  }
0x71: {  	_ =	swait.ge [sflag:s16], $0x50  }
0x72: {  	[sflag:s16] =	ssyncset.done $0x0  }
0x73: {  	[sflag:s16] =	ssyncadd.s32 $0xFFFFFFB0  }
0x74: {  	_ =	swait.ge [sflag:s16], $0x2800  }
0x75: {  	s13 =	sshll.u32 s9, $0x6;
	[sflag:s16] =	ssyncset.done $0x0  }
0x76: {  	s13 =	sadd.s32 s23, s13;
	[sflag:s16] =	ssyncadd.s32 $0xFFFFD800  }
0x77: {  	[tilespmem:s17], [sflag:$0x4] =	stream.indirect.gather [hbm4b:s1+s0], $0x80, s11, s0, $0xb8;
	[tilespmem:$0x1DA80] =	vst v63  }
0x78: {  	s28 =	smul.u32 $0xA, s13;
	_ =	swait.ge [sflag:s18], $0x2800  }
0x79: {  	[sflag:s18] =	ssyncset.done $0x0  }
0x7a: {  	s8 =	sadd.s32 s6, s28;
	[sflag:s18] =	ssyncadd.s32 $0xFFFFD800  }
0x7b: {  	[tilespmem:s26], [sflag:$0x1] =	stream.linear.gather [hbm4b:s8+s26], $0x50, $0x38;
	[tilespmem:$0x1DA80] =	vst v63  }
0x7c: {  	s13 =	smul.u32 $0x500, s13;
	s20 =	sadd.s32 s7, s28  }
0x7d: {  	[tilespmem:s29], [sflag:$0x1] =	stream.linear.gather [hbm4b:s20+s26], $0x50, $0x38;
	[tilespmem:$0x1DA80] =	vst v63  }
0x7e: {  	s20 =	sadd.s32 s5, s13  }
0x7f: {  	[tilespmem:s30], [sflag:$0x1] =	stream.linear.gather [hbm4b:s20+s26], $0x2800, $0x38;
	[tilespmem:$0x1DA80] =	vst v63  }
0x80: {  	_ =	swait.ge [sflag:s19], $0x2800  }
0x81: {  	[sflag:s19] =	ssyncset.done $0x0  }
0x82: {  	s13 =	simm.s32 $0x0;
	[sflag:s19] =	ssyncadd.s32 $0xFFFFD800  }
0x83: {  	v7 =	vld [tilespmem:s13+$0x7A00]  }
0x84: {  	v12 =	vld [tilespmem:s13+$0x7A10]  }
0x85: {  	v6 =	vld [tilespmem:s13+$0x7A20]  }
0x86: {  	v5 =	vld [tilespmem:s13+$0x7A30]  }
0x87: {  	v4 =	vld [tilespmem:s13+$0x7A40]  }
0x88: {  	v3 =	vld [tilespmem:s13+$0x7A50]  }
0x89: {  	v2 =	vld [tilespmem:s13+$0x7A60]  }
0x8a: {  	v1 =	vld [tilespmem:s13+$0x7A70]  }
0x8b: {  	v13 =	vld [tilespmem:s13+$0x2A00]  }
0x8c: {  	v14 =	vld [tilespmem:s13+$0x2A10]  }
0x8d: {  	v11 =	vld [tilespmem:s13+$0x2A20]  }
0x8e: {  	v10 =	vld [tilespmem:s13+$0x2A30]  }
0x8f: {  	v9 =	vld [tilespmem:s13+$0x2A40]  }
0x90: {  	v8 =	vld [tilespmem:s13+$0x2A50];
	v13 =	vadd.f32 v7, v13  }
0x91: {  	s28 =	simm.s32 $0x200;
	v12 =	vadd.f32 v12, v14;
	v7 =	vld [tilespmem:s13+$0x2A60]  }
.LBB2_5:
0x92: {  	s8 =	sshra.s32 s28, $0x2;
	p1 =	sne.s32 s28, $0x9E00;
	v13 =	vmax.f32 v13, $0.0e+00;
	v6 =	vadd.f32 v6, v11;
	v11 =	vld [tilespmem:s13+$0x2A70]  }
0x93: {  	v14 =	vld [tilespmem:s8+$0x7A00];
	[tilespmem:s13+$0x2A00] =	vst v13;
	v12 =	vmax.f32 v12, $0.0e+00;
	v5 =	vadd.f32 v5, v10  }
0x94: {  	v15 =	vld [tilespmem:s8+$0x7A10];
	[tilespmem:s13+$0x2A10] =	vst v12;
	v10 =	vmax.f32 v6, $0.0e+00;
	v4 =	vadd.f32 v4, v9  }
0x95: {  	v6 =	vld [tilespmem:s8+$0x7A20];
	[tilespmem:s13+$0x2A20] =	vst v10;
	v9 =	vmax.f32 v5, $0.0e+00;
	v3 =	vadd.f32 v3, v8  }
0x96: {  	v5 =	vld [tilespmem:s8+$0x7A30];
	[tilespmem:s13+$0x2A30] =	vst v9;
	v8 =	vmax.f32 v4, $0.0e+00;
	v2 =	vadd.f32 v2, v7  }
0x97: {  	v4 =	vld [tilespmem:s8+$0x7A40];
	[tilespmem:s13+$0x2A40] =	vst v8;
	v7 =	vmax.f32 v3, $0.0e+00;
	v1 =	vadd.f32 v1, v11  }
0x98: {  	v3 =	vld [tilespmem:s8+$0x7A50];
	[tilespmem:s13+$0x2A50] =	vst v7;
	v7 =	vmax.f32 v2, $0.0e+00  }
0x99: {  	v2 =	vld [tilespmem:s8+$0x7A60];
	[tilespmem:s13+$0x2A60] =	vst v7;
	v7 =	vmax.f32 v1, $0.0e+00  }
0x9a: {  	v1 =	vld [tilespmem:s8+$0x7A70];
	[tilespmem:s13+$0x2A70] =	vst v7;
	s13 =	smov.u32 s8  }
0x9b: {  	v7 =	vld [tilespmem:s13+$0x2A00]  }
0x9c: {  	v12 =	vld [tilespmem:s13+$0x2A10]  }
.Ltmp1:
0x9d: {  	v11 =	vld [tilespmem:s13+$0x2A20];
	(pc) =	sbr.rel @p1 .LBB2_5-.Ltmp1, $4  }
0x9e: {  	v10 =	vld [tilespmem:s13+$0x2A30]  }
0x9f: {  	v9 =	vld [tilespmem:s13+$0x2A40]  }
0xa0: {  	v13 =	vadd.f32 v14, v7;
	v8 =	vld [tilespmem:s13+$0x2A50]  }
0xa1: {  	s28 =	sadd.s32 $0x200, s28;
	v12 =	vadd.f32 v15, v12;
	v7 =	vld [tilespmem:s13+$0x2A60]  }
0xa2: {  	v13 =	vmax.f32 v13, $0.0e+00;
	v6 =	vadd.f32 v6, v11;
	v11 =	vld [tilespmem:s13+$0x2A70]  }
0xa3: {  	[tilespmem:s13+$0x2A00] =	vst v13;
	v12 =	vmax.f32 v12, $0.0e+00;
	v5 =	vadd.f32 v5, v10  }
0xa4: {  	[tilespmem:s13+$0x2A10] =	vst v12;
	v6 =	vmax.f32 v6, $0.0e+00;
	v4 =	vadd.f32 v4, v9  }
0xa5: {  	[tilespmem:s13+$0x2A20] =	vst v6;
	v5 =	vmax.f32 v5, $0.0e+00;
	v3 =	vadd.f32 v3, v8  }
0xa6: {  	[tilespmem:s13+$0x2A30] =	vst v5;
	v4 =	vmax.f32 v4, $0.0e+00;
	v2 =	vadd.f32 v2, v7  }
0xa7: {  	[tilespmem:s13+$0x2A40] =	vst v4;
	v3 =	vmax.f32 v3, $0.0e+00;
	v1 =	vadd.f32 v1, v11  }
0xa8: {  	[tilespmem:s13+$0x2A50] =	vst v3;
	v2 =	vmax.f32 v2, $0.0e+00  }
0xa9: {  	[tilespmem:s13+$0x2A60] =	vst v2;
	v1 =	vmax.f32 v1, $0.0e+00  }
0xaa: {  	[tilespmem:s13+$0x2A70] =	vst v1  }
0xab: {  	[spmem:s2] =	stream.indirect.scatter.add.f32 [tilespmem:s17], [sflag:$0x6], $0x80, s12, s0, $0xb8;
	[tilespmem:$0x1DA80] =	vst v63  }
0xac: {  	_ =	swait.ge [sflag:s31], $0x50  }
0xad: {  	[sflag:s31] =	ssyncset.done $0x0  }
0xae: {  	[sflag:s31] =	ssyncadd.s32 $0xFFFFFFB0  }
0xaf: {  	_ =	swait.ge [sflag:s31], $0x50  }
0xb0: {  	[sflag:s31] =	ssyncset.done $0x0  }
0xb1: {  	s8 =	sshll.u32 s9, $0x1;
	[sflag:s31] =	ssyncadd.s32 $0xFFFFFFB0  }
0xb2: {  	s8 =	smin.u32 s8, $0x79;
	_ =	swait.ge [sflag:s31], $0x2800  }
0xb3: {  	s8 =	sshll.u32 s8, $0x5;
	[sflag:s31] =	ssyncset.done $0x0  }
0xb4: {  	s8 =	sadd.s32 s24, s8;
	s13 =	simm.s32 $0x0;
	[sflag:s31] =	ssyncadd.s32 $0xFFFFD800  }
0xb5: {  	[tilespmem:s4], [sflag:$0x3] =	stream.indirect.gather [hbm4b:s1+s0], $0x80, s13, s0, $0xb8;
	[tilespmem:$0x1DA80] =	vst v63  }
0xb6: {  	s28 =	smul.u32 $0xA, s8;
	_ =	swait.ge [sflag:s21], $0x2800  }
0xb7: {  	[sflag:s21] =	ssyncset.done $0x0  }
0xb8: {  	s20 =	sadd.s32 s6, s28;
	[sflag:s21] =	ssyncadd.s32 $0xFFFFD800  }
0xb9: {  	[tilespmem:s11], [sflag:$0x2] =	stream.linear.gather [hbm4b:s20+s13], $0x50, $0x38;
	[tilespmem:$0x1DA80] =	vst v63  }
0xba: {  	s8 =	smul.u32 $0x500, s8;
	s20 =	sadd.s32 s7, s28  }
0xbb: {  	[tilespmem:s12], [sflag:$0x2] =	stream.linear.gather [hbm4b:s20+s13], $0x50, $0x38;
	[tilespmem:$0x1DA80] =	vst v63  }
0xbc: {  	s8 =	sadd.s32 s5, s8  }
0xbd: {  	[tilespmem:s14], [sflag:$0x2] =	stream.linear.gather [hbm4b:s8+s13], $0x2800, $0x38;
	[tilespmem:$0x1DA80] =	vst v63  }
0xbe: {  	_ =	swait.ge [sflag:s15], $0x2800  }
0xbf: {  	[sflag:s15] =	ssyncset.done $0x0  }
0xc0: {  	s13 =	simm.s32 $0x0;
	[sflag:s15] =	ssyncadd.s32 $0xFFFFD800  }
0xc1: {  	v7 =	vld [tilespmem:s13+$0x5200]  }
0xc2: {  	v12 =	vld [tilespmem:s13+$0x5210]  }
0xc3: {  	v6 =	vld [tilespmem:s13+$0x5220]  }
0xc4: {  	v5 =	vld [tilespmem:s13+$0x5230]  }
0xc5: {  	v4 =	vld [tilespmem:s13+$0x5240]  }
0xc6: {  	v3 =	vld [tilespmem:s13+$0x5250]  }
0xc7: {  	v2 =	vld [tilespmem:s13+$0x5260]  }
0xc8: {  	v1 =	vld [tilespmem:s13+$0x5270]  }
0xc9: {  	v13 =	vld [tilespmem:s13+$0x200]  }
0xca: {  	v14 =	vld [tilespmem:s13+$0x210]  }
0xcb: {  	v11 =	vld [tilespmem:s13+$0x220]  }
0xcc: {  	v10 =	vld [tilespmem:s13+$0x230]  }
0xcd: {  	v9 =	vld [tilespmem:s13+$0x240]  }
0xce: {  	v8 =	vld [tilespmem:s13+$0x250];
	v13 =	vadd.f32 v7, v13  }
0xcf: {  	s28 =	simm.s32 $0x200;
	v12 =	vadd.f32 v12, v14;
	v7 =	vld [tilespmem:s13+$0x260]  }
.LBB2_7:
0xd0: {  	s8 =	sshra.s32 s28, $0x2;
	p1 =	sne.s32 s28, $0x9E00;
	v13 =	vmax.f32 v13, $0.0e+00;
	v6 =	vadd.f32 v6, v11;
	v11 =	vld [tilespmem:s13+$0x270]  }
0xd1: {  	v14 =	vld [tilespmem:s8+$0x5200];
	[tilespmem:s13+$0x200] =	vst v13;
	v12 =	vmax.f32 v12, $0.0e+00;
	v5 =	vadd.f32 v5, v10  }
0xd2: {  	v15 =	vld [tilespmem:s8+$0x5210];
	[tilespmem:s13+$0x210] =	vst v12;
	v10 =	vmax.f32 v6, $0.0e+00;
	v4 =	vadd.f32 v4, v9  }
0xd3: {  	v6 =	vld [tilespmem:s8+$0x5220];
	[tilespmem:s13+$0x220] =	vst v10;
	v9 =	vmax.f32 v5, $0.0e+00;
	v3 =	vadd.f32 v3, v8  }
0xd4: {  	v5 =	vld [tilespmem:s8+$0x5230];
	[tilespmem:s13+$0x230] =	vst v9;
	v8 =	vmax.f32 v4, $0.0e+00;
	v2 =	vadd.f32 v2, v7  }
0xd5: {  	v4 =	vld [tilespmem:s8+$0x5240];
	[tilespmem:s13+$0x240] =	vst v8;
	v7 =	vmax.f32 v3, $0.0e+00;
	v1 =	vadd.f32 v1, v11  }
0xd6: {  	v3 =	vld [tilespmem:s8+$0x5250];
	[tilespmem:s13+$0x250] =	vst v7;
	v7 =	vmax.f32 v2, $0.0e+00  }
0xd7: {  	v2 =	vld [tilespmem:s8+$0x5260];
	[tilespmem:s13+$0x260] =	vst v7;
	v7 =	vmax.f32 v1, $0.0e+00  }
0xd8: {  	v1 =	vld [tilespmem:s8+$0x5270];
	[tilespmem:s13+$0x270] =	vst v7;
	s13 =	smov.u32 s8  }
0xd9: {  	v7 =	vld [tilespmem:s13+$0x200]  }
0xda: {  	v12 =	vld [tilespmem:s13+$0x210]  }
.Ltmp2:
0xdb: {  	v11 =	vld [tilespmem:s13+$0x220];
	(pc) =	sbr.rel @p1 .LBB2_7-.Ltmp2, $4  }
0xdc: {  	v10 =	vld [tilespmem:s13+$0x230]  }
0xdd: {  	v9 =	vld [tilespmem:s13+$0x240]  }
0xde: {  	v13 =	vadd.f32 v14, v7;
	v8 =	vld [tilespmem:s13+$0x250]  }
0xdf: {  	s28 =	sadd.s32 $0x200, s28;
	v12 =	vadd.f32 v15, v12;
	v7 =	vld [tilespmem:s13+$0x260]  }
0xe0: {  	v13 =	vmax.f32 v13, $0.0e+00;
	v6 =	vadd.f32 v6, v11;
	v63 =	vld [tilespmem:s13+$0x270]  }
0xe1: {  	[tilespmem:s13+$0x200] =	vst v13;
	v12 =	vmax.f32 v12, $0.0e+00;
	v5 =	vadd.f32 v5, v10  }
0xe2: {  	[tilespmem:s13+$0x210] =	vst v12;
	v6 =	vmax.f32 v6, $0.0e+00;
	v4 =	vadd.f32 v4, v9  }
0xe3: {  	s9 =	sadd.s32 $0x1, s9;
	[tilespmem:s13+$0x220] =	vst v6;
	v5 =	vmax.f32 v5, $0.0e+00;
	v3 =	vadd.f32 v3, v8  }
0xe4: {  	p1 =	sne.s32 s9, $0x3E;
	[tilespmem:s13+$0x230] =	vst v5;
	v4 =	vmax.f32 v4, $0.0e+00;
	v2 =	vadd.f32 v2, v7  }
.Ltmp3:
0xe5: {  	[tilespmem:s13+$0x240] =	vst v4;
	v3 =	vmax.f32 v3, $0.0e+00;
	v1 =	vadd.f32 v1, v63;
	(pc) =	sbr.rel @p1 .LBB2_4-.Ltmp3, $4  }
0xe6: {  	[tilespmem:s13+$0x250] =	vst v3;
	v2 =	vmax.f32 v2, $0.0e+00  }
0xe7: {  	[tilespmem:s13+$0x260] =	vst v2;
	v1 =	vmax.f32 v1, $0.0e+00  }
0xe8: {  	[tilespmem:s13+$0x270] =	vst v1  }
0xe9: {  	[spmem:s2] =	stream.indirect.scatter.add.f32 [tilespmem:s4], [sflag:$0x5], $0x80, s29, s0, $0xb8;
	[tilespmem:$0x1DA80] =	vst v63  }
0xea: {  	_ =	swait.ge [sflag:s18], $0x2800  }
0xeb: {  	[sflag:s18] =	ssyncset.done $0x0  }
0xec: {  	[sflag:s18] =	ssyncadd.s32 $0xFFFFD800  }
0xed: {  	_ =	swait.ge [sflag:s16], $0x50  }
0xee: {  	[sflag:s16] =	ssyncset.done $0x0  }
0xef: {  	[sflag:s16] =	ssyncadd.s32 $0xFFFFFFB0  }
0xf0: {  	_ =	swait.ge [sflag:s16], $0x50  }
0xf1: {  	[sflag:s16] =	ssyncset.done $0x0  }
0xf2: {  	[sflag:s16] =	ssyncadd.s32 $0xFFFFFFB0  }
0xf3: {  	_ =	swait.ge [sflag:s16], $0x2800  }
0xf4: {  	[sflag:s16] =	ssyncset.done $0x0  }
0xf5: {  	[sflag:s16] =	ssyncadd.s32 $0xFFFFD800  }
0xf6: {  	[bflag:$0x0] =	sbarrier.arrive $0xFFFF  }
0xf7: {  	s8 =	rddreg [dreg:$0xa]  }
0xf8: {  	s28 =	simm.s32 $0x7;
	s9 =	rddreg [dreg:$0x13]  }
0xf9: {  	[hbm:s8], [sflag:s10] =	dma.local [spmem:s9], $0x2700  }
0xfa: {  	_ =	swait.ge [sflag:s28], $0x2700  }
0xfb: {  	[sflag:s28] =	ssyncset.done $0x0  }
0xfc: {  	[sflag:s28] =	ssyncadd.s32 $0xFFFFD900  }
0xfd: {  	[bflag:$0x0] =	sbarrier.arrive @p0 $0xFFFF  }
0xfe: {  	s26 =	rddreg [dreg:$0x5]  }
0xff: {  	s20 =	rddreg [dreg:$0x4];
	s8 =	sshrl.u32 @p0 s26, $0x3  }
0x100: {  	[spmem:s8], [sflag:s10] =	dma.local @p0 [hbm:s20], $0x2700  }
0x101: {  	s8 =	simm.s32 @p0 $0x7  }
0x102: {  	_ =	swait.ge @p0 [sflag:s8], $0x2700  }
0x103: {  	[sflag:s8] =	ssyncset.done @p0 $0x0;
	s13 =	rddreg [dreg:$0x14]  }
0x104: {  	[sflag:s8] =	ssyncadd.s32 @p0 $0xFFFFD900;
	s8 =	rddreg [dreg:$0xb]  }
0x105: {  	[hbm:s8], [sflag:s10] =	dma.local @!p0 [spmem:s13], $0x100  }
0x106: {  	s8 =	simm.s32 @!p0 $0x7  }
0x107: {  	_ =	swait.ge @!p0 [sflag:s8], $0x100  }
0x108: {  	[sflag:s8] =	ssyncset.done @!p0 $0x0  }
0x109: {  	[sflag:s8] =	ssyncadd.s32 @!p0 $0xFFFFFF00  }
0x10a: {  	s9 =	sshrl.u32 @!p0 s26, $0x3;
	[bflag:$0x0] =	sbarrier.arrive @!p0 $0xFFFF  }
0x10b: {  	[spmem:s9], [sflag:s10] =	dma.local @!p0 [hbm:s20], $0x2700  }
0x10c: {  	_ =	swait.ge @!p0 [sflag:s8], $0x2700  }
0x10d: {  	[sflag:s8] =	ssyncset.done @!p0 $0x0  }
0x10e: {  	[sflag:s8] =	ssyncadd.s32 @!p0 $0xFFFFD900  }
0x10f: {  	[spmem:s13], [sflag:s10] =	dma.local @!p0 [hbm:s20], $0x100  }
0x110: {  	_ =	swait.ge @!p0 [sflag:s8], $0x100  }
0x111: {  	[sflag:s8] =	ssyncset.done @!p0 $0x0  }
0x112: {  	s9 =	simm.s32 $0x0;
	s13 =	simm.s32 $0x200;
	[sflag:s8] =	ssyncadd.s32 @!p0 $0xFFFFFF00  }
.LBB2_10:
0x113: {  	p1 =	sne.s32 s13, $0x9E00;
	[tilespmem:s9+$0x270] =	vst v0  }
0x114: {  	[tilespmem:s9+$0x200] =	vst v0  }
0x115: {  	[tilespmem:s9+$0x210] =	vst v0  }
.Ltmp4:
0x116: {  	[tilespmem:s9+$0x220] =	vst v0;
	(pc) =	sbr.rel @p1 .LBB2_10-.Ltmp4, $4  }
0x117: {  	[tilespmem:s9+$0x230] =	vst v0  }
0x118: {  	[tilespmem:s9+$0x240] =	vst v0  }
0x119: {  	[tilespmem:s9+$0x250] =	vst v0  }
0x11a: {  	[tilespmem:s9+$0x260] =	vst v0;
	s9 =	sshra.s32 s13, $0x2;
	s13 =	sadd.s32 $0x200, s13  }
0x11b: {  	[tilespmem:s9+$0x270] =	vst v0  }
0x11c: {  	[tilespmem:s9+$0x200] =	vst v0  }
0x11d: {  	[tilespmem:s9+$0x210] =	vst v0  }
0x11e: {  	[tilespmem:s9+$0x220] =	vst v0  }
0x11f: {  	[tilespmem:s9+$0x230] =	vst v0  }
0x120: {  	[tilespmem:s9+$0x240] =	vst v0  }
0x121: {  	[tilespmem:s9+$0x250] =	vst v0  }
0x122: {  	[tilespmem:s9+$0x260] =	vst v0  }
0x123: {  	[bflag:$0x0] =	sbarrier.arrive $0xFFFF  }
0x124: {  	s28 =	rddreg [dreg:$0x8]  }
0x125: {  	[tilespmem:s29], [sflag:$0x1] =	stream.linear.gather [hbm4b:s28+s3], $0x50, $0x38;
	[tilespmem:$0x1DA80] =	vst v63  }
0x126: {  	_ =	swait.ge [sflag:s31], $0x50  }
0x127: {  	[sflag:s31] =	ssyncset.done $0x0  }
0x128: {  	s8 =	rddreg [dreg:$0xf];
	[sflag:s31] =	ssyncadd.s32 $0xFFFFFFB0  }
0x129: {  	[tilespmem:s12], [sflag:$0x2] =	stream.linear.gather [hbm4b:s8+s3], $0x50, $0x38;
	[tilespmem:$0x1DA80] =	vst v63  }
0x12a: {  	_ = 	snop  }
0x12b: {  	[spmem:s2] =	stream.indirect.scatter.add.f32 [tilespmem:s4], [sflag:$0x5], $0x80, s29, s0, $0xb8;
	[tilespmem:$0x1DA80] =	vst v63  }
0x12c: {  	_ =	swait.ge [sflag:s16], $0x50  }
0x12d: {  	[sflag:s16] =	ssyncset.done $0x0  }
0x12e: {  	[sflag:s16] =	ssyncadd.s32 $0xFFFFFFB0  }
0x12f: {  	_ =	swait.ge [sflag:s18], $0x2800  }
0x130: {  	s8 =	sadd.s32 $0xFFFF6780, s22;
	[sflag:s18] =	ssyncset.done $0x0  }
0x131: {  	s13 =	sadd.s32 $0x9B00, s8;
	[sflag:s18] =	ssyncadd.s32 $0xFFFFD800  }
0x132: {  	[tilespmem:s29], [sflag:$0x1] =	stream.linear.gather [hbm4b:s13+s3], $0x50, $0x38;
	[tilespmem:$0x1DA80] =	vst v63  }
0x133: {  	_ = 	snop  }
0x134: {  	[spmem:s2] =	stream.indirect.scatter.add.f32 [tilespmem:s4], [sflag:$0x6], $0x80, s12, s0, $0xb8;
	[tilespmem:$0x1DA80] =	vst v63  }
0x135: {  	_ =	swait.ge [sflag:s31], $0x50  }
0x136: {  	[sflag:s31] =	ssyncset.done $0x0  }
0x137: {  	[sflag:s31] =	ssyncadd.s32 $0xFFFFFFB0  }
0x138: {  	_ =	swait.ge [sflag:s21], $0x2800  }
0x139: {  	[sflag:s21] =	ssyncset.done $0x0  }
0x13a: {  	s9 =	simm.s32 $0xFFFF6A00;
	s8 =	sadd.s32 $0x9C40, s8;
	[sflag:s21] =	ssyncadd.s32 $0xFFFFD800  }
0x13b: {  	[tilespmem:s12], [sflag:$0x2] =	stream.linear.gather [hbm4b:s8+s3], $0x50, $0x38;
	[tilespmem:$0x1DA80] =	vst v63  }
.LBB2_12:
0x13c: {  	[spmem:s2] =	stream.indirect.scatter.add.f32 [tilespmem:s4], [sflag:$0x5], $0x80, s29, s0, $0xb8;
	[tilespmem:$0x1DA80] =	vst v63  }
0x13d: {  	s8 =	smov.u32 s9  }
0x13e: {  	p1 =	sne.s32 s9, $0xFFFFFD80;
	s9 =	sadd.s32 $0x280, s9;
	_ =	swait.ge [sflag:s16], $0x50  }
0x13f: {  	[sflag:s16] =	ssyncset.done $0x0  }
0x140: {  	[sflag:s16] =	ssyncadd.s32 $0xFFFFFFB0  }
0x141: {  	_ =	swait.ge [sflag:s18], $0x2800  }
0x142: {  	s8 =	sadd.s32 s8, s22;
	[sflag:s18] =	ssyncset.done $0x0  }
0x143: {  	s13 =	sadd.s32 $0x9B00, s8;
	[sflag:s18] =	ssyncadd.s32 $0xFFFFD800  }
0x144: {  	[tilespmem:s29], [sflag:$0x1] =	stream.linear.gather [hbm4b:s13+s3], $0x50, $0x38;
	[tilespmem:$0x1DA80] =	vst v63  }
0x145: {  	_ = 	snop  }
0x146: {  	[spmem:s2] =	stream.indirect.scatter.add.f32 [tilespmem:s4], [sflag:$0x6], $0x80, s12, s0, $0xb8;
	[tilespmem:$0x1DA80] =	vst v63  }
0x147: {  	_ =	swait.ge [sflag:s31], $0x50  }
0x148: {  	[sflag:s31] =	ssyncset.done $0x0  }
.Ltmp5:
0x149: {  	[sflag:s31] =	ssyncadd.s32 $0xFFFFFFB0;
	(pc) =	sbr.rel @p1 .LBB2_12-.Ltmp5, $4  }
0x14a: {  	_ =	swait.ge [sflag:s21], $0x2800  }
0x14b: {  	[sflag:s21] =	ssyncset.done $0x0  }
0x14c: {  	s8 =	sadd.s32 $0x9C40, s8;
	[sflag:s21] =	ssyncadd.s32 $0xFFFFD800  }
0x14d: {  	[tilespmem:s12], [sflag:$0x2] =	stream.linear.gather [hbm4b:s8+s3], $0x50, $0x38;
	[tilespmem:$0x1DA80] =	vst v63  }
0x14e: {  	[spmem:s2] =	stream.indirect.scatter.add.f32 [tilespmem:s4], [sflag:$0x5], $0x80, s29, s0, $0xb8;
	[tilespmem:$0x1DA80] =	vst v63  }
0x14f: {  	_ =	swait.ge [sflag:s16], $0x50  }
0x150: {  	[sflag:s16] =	ssyncset.done $0x0  }
0x151: {  	[sflag:s16] =	ssyncadd.s32 $0xFFFFFFB0  }
0x152: {  	_ =	swait.ge [sflag:s18], $0x2800  }
0x153: {  	[sflag:s18] =	ssyncset.done $0x0  }
0x154: {  	s8 =	rddreg [dreg:$0x12];
	[sflag:s18] =	ssyncadd.s32 $0xFFFFD800  }
0x155: {  	[tilespmem:s29], [sflag:$0x1] =	stream.linear.gather [hbm4b:s8+s3], $0x50, $0x38;
	[tilespmem:$0x1DA80] =	vst v63  }
0x156: {  	_ = 	snop  }
0x157: {  	[spmem:s2] =	stream.indirect.scatter.add.f32 [tilespmem:s4], [sflag:$0x6], $0x80, s12, s0, $0xb8;
	[tilespmem:$0x1DA80] =	vst v63  }
0x158: {  	_ =	swait.ge [sflag:s31], $0x50  }
0x159: {  	[sflag:s31] =	ssyncset.done $0x0  }
0x15a: {  	[sflag:s31] =	ssyncadd.s32 $0xFFFFFFB0  }
0x15b: {  	_ =	swait.ge [sflag:s21], $0x2800  }
0x15c: {  	[sflag:s21] =	ssyncset.done $0x0  }
0x15d: {  	[sflag:s21] =	ssyncadd.s32 $0xFFFFD800  }
0x15e: {  	[tilespmem:s12], [sflag:$0x2] =	stream.linear.gather [hbm4b:s8+s3], $0x50, $0x38;
	[tilespmem:$0x1DA80] =	vst v63  }
0x15f: {  	_ = 	snop  }
0x160: {  	[spmem:s2] =	stream.indirect.scatter.add.f32 [tilespmem:s4], [sflag:$0x5], $0x80, s29, s0, $0xb8;
	[tilespmem:$0x1DA80] =	vst v63  }
0x161: {  	_ =	swait.ge [sflag:s18], $0x2800  }
0x162: {  	[sflag:s18] =	ssyncset.done $0x0  }
0x163: {  	[sflag:s18] =	ssyncadd.s32 $0xFFFFD800  }
0x164: {  	_ =	swait.ge [sflag:s16], $0x50  }
0x165: {  	[sflag:s16] =	ssyncset.done $0x0  }
0x166: {  	[sflag:s16] =	ssyncadd.s32 $0xFFFFFFB0  }
0x167: {  	[bflag:$0x0] =	sbarrier.arrive $0xFFFF  }
0x168: {  	s13 =	rddreg [dreg:$0xc]  }
0x169: {  	s9 =	rddreg [dreg:$0x13]  }
0x16a: {  	[hbm:s13], [sflag:s10] =	dma.local [spmem:s9], $0x2700  }
0x16b: {  	s13 =	simm.s32 $0x7  }
0x16c: {  	_ =	swait.ge [sflag:s13], $0x2700  }
0x16d: {  	[sflag:s13] =	ssyncset.done $0x0;
	s8 =	rddreg [dreg:$0xd]  }
0x16e: {  	s9 =	rddreg [dreg:$0x14];
	[sflag:s13] =	ssyncadd.s32 $0xFFFFD900  }
0x16f: {  	[hbm:s8], [sflag:s10] =	dma.local @!p0 [spmem:s9], $0x100  }
0x170: {  	s8 =	simm.s32 @!p0 $0x7  }
0x171: {  	_ =	swait.ge @!p0 [sflag:s8], $0x100  }
0x172: {  	s25 =	sadd.s32 $0x1, s25;
	s9 =	rddreg [dreg:$0x11]  }
0x173: {  	p1 =	sne.s32 s25, s9  }
.Ltmp6:
0x174: {  	_ = 	snop;
	(pc) =	sbr.rel @p1 .LBB2_1-.Ltmp6, $3  }
0x175: {  	_ =	sdelay $0x1  }
0x176: {  	[sflag:s8] =	ssyncset.done @!p0 $0x0  }
0x177: {  	[sflag:s8] =	ssyncadd.s32 @!p0 $0xFFFFFF00  }
0x178: {  	_ =	sfence.sel $0x180000  }
0x179: {  	[bflag:$0x0] =	sbarrier.arrive $0xFFFF  }
0x17a: {  	_ =	strace $0x90000047  }
0x17b: {  	s0 =	stileid.u32;
	[bflag:$0x2] =	sbarrier.arrive $0xFFFF  }
0x17c: {  	p0 =	sne.s32 s0, $0x0;
	s0 =	rddreg [dreg:$0x3]  }
0x17d: {  	s0 =	sadd.s32 @!p0 $0x100000, s0  }
0x17e: {  	[sflag:s0] =	ssyncadd.tile.s32 @!p0 $0x1;
	_ =	shalt  }
.Lfunc_end2:
_tile_overlayer_lowered:
.L_overlay_start_2:
0x17f: {  	(tag) =	ssettag $0x2  }
0x180: {  	s0 =	rddreg [dreg:$0x0];
	s2 =	stileid.u32  }
0x181: {  	s1 =	rddreg [dreg:$0x1];
	p0 =	sne.s32 s2, $0x0  }
0x182: {  	s3 =	rddreg [dreg:$0x2];
	[bflag:$0x3] =	sbarrier.arrive $0xFFFF;
	s2 =	simm.s32 @!p0 $0x1C07  }
0x183: {  	[timem:s3], [sflag:s2] =	dma.local @!p0 [hbm:s0], s1  }
0x184: {  	s0 =	simm.s32 @!p0 $0x7  }
0x185: {  	_ =	swait.ge @!p0 [sflag:s0], s1  }
0x186: {  	s1 =	ssub.s32 @!p0 $0x0, s1;
	[sflag:s0] =	ssyncset.done @!p0 $0x0  }
0x187: {  	[sflag:s0] =	ssyncadd.s32 @!p0 s1  }
0x188: {  	[bflag:$0x3] =	sbarrier.arrive $0xFFFF  }
0x189: {  	_ =	shalt  }

</sc_bundles>
